<compile_context>
chip_gen: v7x
topology: tpu7x:2x2x1
jax: 0.10.2.dev20260603
libtpu: 0.0.44.dev20260713+nightly
codegen_flags: <defaults>
</compile_context>

<pallas_src>
import functools

import jax
import jax.numpy as jnp
from jax import lax
from jax.experimental import pallas as pl
from jax.experimental.pallas import tpu as pltpu
from jax.experimental.pallas import tpu_sc as plsc

_BLOCK = 4096
_NW = 32
_E = 64


def _scores_kernel(x_ref, w1_ref, b1_ref, w2_ref, b2_ref, s_ref):
    h = jnp.maximum(
        jnp.dot(x_ref[...], w1_ref[...], preferred_element_type=jnp.float32)
        + b1_ref[...],
        0.0,
    )
    s_ref[...] = (
        jnp.dot(h, w2_ref[...], preferred_element_type=jnp.float32) + b2_ref[...]
    )


def _scores(x, W1, b1, W2, b2):
    n = x.shape[0]
    return pl.pallas_call(
        _scores_kernel,
        grid=(n // _BLOCK,),
        in_specs=[
            pl.BlockSpec((_BLOCK, x.shape[1]), lambda i: (i, 0)),
            pl.BlockSpec(W1.shape, lambda i: (0, 0)),
            pl.BlockSpec(b1.shape, lambda i: (0,)),
            pl.BlockSpec(W2.shape, lambda i: (0, 0)),
            pl.BlockSpec(b2.shape, lambda i: (0,)),
        ],
        out_specs=pl.BlockSpec((_BLOCK, _E), lambda i: (i, 0)),
        out_shape=jax.ShapeDtypeStruct((n, _E), jnp.float32),
    )(x, W1, b1, W2, b2)


def _sc_top2(scores):
    n = scores.shape[0] // _E
    rpw = n // _NW
    groups = rpw // 16

    mesh = plsc.VectorSubcoreMesh(core_axis_name="c", subcore_axis_name="s")

    @functools.partial(
        pl.kernel,
        out_type=[
            jax.ShapeDtypeStruct((n * 2,), jnp.int32),
            jax.ShapeDtypeStruct((n * 2,), jnp.float32),
        ],
        mesh=mesh,
        scratch_types=[
            pltpu.VMEM((rpw * _E,), jnp.float32),
            pltpu.VMEM((rpw * 2,), jnp.int32),
            pltpu.VMEM((rpw * 2,), jnp.float32),
        ],
        compiler_params=pltpu.CompilerParams(needs_layout_passes=False),
    )
    def sc_kernel(s_hbm, idx_hbm, prob_hbm, s_v, idx_v, prob_v):
        wid = lax.axis_index("s") * 2 + lax.axis_index("c")
        base = wid * rpw
        pltpu.sync_copy(s_hbm.at[pl.ds(base * _E, rpw * _E)], s_v)

        def group(g, carry):
            row = g * 16 + lax.iota(jnp.int32, 16)
            rbase = row * _E
            m0 = jnp.full((16,), -jnp.inf, jnp.float32)
            m1 = jnp.full((16,), -jnp.inf, jnp.float32)
            i0 = jnp.zeros((16,), jnp.int32)
            i1 = jnp.zeros((16,), jnp.int32)
            for j in range(_E):
                col = jnp.full((16,), j, jnp.int32)
                v = plsc.load_gather(s_v, [rbase + j])
                gt0 = v > m0
                gt1 = v > m1
                m1 = jnp.where(gt0, m0, jnp.where(gt1, v, m1))
                i1 = jnp.where(gt0, i0, jnp.where(gt1, col, i1))
                m0 = jnp.where(gt0, v, m0)
                i0 = jnp.where(gt0, col, i0)
            d = jnp.zeros((16,), jnp.float32)
            for j in range(_E):
                v = plsc.load_gather(s_v, [rbase + j])
                d = d + jnp.exp(v - m0)
            p0 = 1.0 / d
            p1 = jnp.exp(m1 - m0) / d
            plsc.store_scatter(idx_v, [row * 2], i0)
            plsc.store_scatter(idx_v, [row * 2 + 1], i1)
            plsc.store_scatter(prob_v, [row * 2], p0)
            plsc.store_scatter(prob_v, [row * 2 + 1], p1)
            return carry

        lax.fori_loop(0, groups, group, 0)
        pltpu.sync_copy(idx_v, idx_hbm.at[pl.ds(base * 2, rpw * 2)])
        pltpu.sync_copy(prob_v, prob_hbm.at[pl.ds(base * 2, rpw * 2)])

    return sc_kernel(scores)


def kernel(x, W1, b1, W2, b2):
    s = _scores(x, W1, b1, W2, b2)
    idx_flat, prob_flat = _sc_top2(s.reshape(-1))
    n = x.shape[0]
    return idx_flat.reshape(n, 2), prob_flat.reshape(n, 2)

# --- scband reference (transcript-rebuilt; emitter-appended) ---
"""Pipeline reference for scband-top-kgating-33423435498126 (READ-ONLY COPY).

The authoritative reference and input builder live on the scoring server;
editing this copy changes nothing except your own understanding.
"""

import jax, jax.numpy as jnp
import numpy as np


def setup_inputs(seed: int = 0) -> dict:
    key = jax.random.key(seed)
    k1, k2, k3 = jax.random.split(key, 3)
    x = jax.random.normal(k1, (32768, 768), dtype=jnp.float32)
    # gate: Linear(768 -> 64), ReLU, Linear(64 -> 64 experts)
    # kaiming-uniform style init for weights, default-ish bias init
    bound1 = np.sqrt(6.0 / 768)
    W1 = jax.random.uniform(k2, (768, 64), dtype=jnp.float32, minval=-bound1, maxval=bound1)
    b1 = jnp.zeros((64,), dtype=jnp.float32)
    bound2 = np.sqrt(6.0 / 64)
    W2 = jax.random.uniform(k3, (64, 64), dtype=jnp.float32, minval=-bound2, maxval=bound2)
    b2 = jnp.zeros((64,), dtype=jnp.float32)
    return {"x": x, "W1": W1, "b1": b1, "W2": W2, "b2": b2}


def reference(x, W1, b1, W2, b2):
    h = jnp.maximum(x @ W1 + b1, 0.0)
    gating_scores = h @ W2 + b2
    probabilities = jax.nn.softmax(gating_scores, axis=1)
    top_k_prob, top_k_index = jax.lax.top_k(probabilities, 2)
    return (top_k_index, top_k_prob)

if __name__ == "__main__":
    import jax
    _d = setup_inputs()
    print(jax.jit(kernel)(*tuple(_d.values())))

</pallas_src>

<mosaic_0001>
#map = affine_map<(d0, d1) -> (0)>
module attributes {stable_mosaic.version = 14 : i64} {
  func.func @sc_kernel(%arg0: i32, %arg1: i32, %arg2: memref<2097152xf32, #tpu.memory_space<hbm>>, %arg3: memref<65536xi32, #tpu.memory_space<hbm>>, %arg4: memref<65536xf32, #tpu.memory_space<hbm>>, %arg5: memref<65536xf32, #tpu.memory_space<vmem>>, %arg6: memref<2048xi32, #tpu.memory_space<vmem>>, %arg7: memref<2048xf32, #tpu.memory_space<vmem>>) attributes {dimension_semantics = [#tpu.dimension_semantics<core_parallel>, #tpu.dimension_semantics<subcore_parallel>], iteration_bounds = array<i64: 2, 16>, scalar_prefetch = 0 : i64, scratch_operands = 3 : i64, tpu.core_type = #tpu.core_type<sc_vector_subcore>, window_params = [{transform_indices = #map}, {transform_indices = #map}, {transform_indices = #map}]} {
    %mul3A = arith.constant 2 : i32
    %mul3A_0 = arith.muli %arg1, %mul3A : i32
    %add3A = arith.addi %mul3A_0, %arg0 : i32
    %mul3A_1 = arith.constant 1024 : i32
    %mul3A_2 = arith.muli %add3A, %mul3A_1 : i32
    %mul3A_3 = arith.constant 64 : i32
    %mul3A_4 = arith.muli %mul3A_2, %mul3A_3 : i32
    "tpu.region"() ({
      %run_scoped3A = tpu.sem_alloc : memref<!tpu.dma_semaphore, #tpu.memory_space<semaphore_mem>>
      %dma_start3A = tpu.memref_slice %arg2[%mul3A_4] : memref<2097152xf32, #tpu.memory_space<hbm>> -> memref<65536xf32, #tpu.memory_space<hbm>>
      %dma_start3A_14 = tpu.memref_slice %arg2[%mul3A_4] : memref<2097152xf32, #tpu.memory_space<hbm>> -> memref<65536xf32, #tpu.memory_space<hbm>>
      tpu.enqueue_dma source(%dma_start3A_14 : memref<65536xf32, #tpu.memory_space<hbm>>) target(%arg5 : memref<65536xf32, #tpu.memory_space<vmem>>) target_semaphore(%run_scoped3A : memref<!tpu.dma_semaphore, #tpu.memory_space<semaphore_mem>>)
      %dma_wait3A = tpu.memref_slice %arg2[%mul3A_4] : memref<2097152xf32, #tpu.memory_space<hbm>> -> memref<65536xf32, #tpu.memory_space<hbm>>
      %dma_wait3A_15 = tpu.memref_slice %arg2[%mul3A_4] : memref<2097152xf32, #tpu.memory_space<hbm>> -> memref<65536xf32, #tpu.memory_space<hbm>>
      tpu.wait_dma2 semaphore(%run_scoped3A : memref<!tpu.dma_semaphore, #tpu.memory_space<semaphore_mem>>) src(%dma_wait3A_15 : memref<65536xf32, #tpu.memory_space<hbm>>) dst(%arg5 : memref<65536xf32, #tpu.memory_space<vmem>>)
      tpu.yield
    }) : () -> ()
    %scan3A = arith.constant 0 : i32
    %scan3A_5 = arith.constant 0 : i32
    %scan3A_6 = arith.constant 64 : i32
    %scan3A_7 = arith.addi %scan3A_5, %scan3A_6 : i32
    %scan3A_8 = arith.constant 1 : i32
    scf.for %scan3A_14 = %scan3A_5 to %scan3A_7 step %scan3A_8  : i32 {
      %mul3A_15 = arith.constant 16 : i32
      %mul3A_16 = arith.muli %scan3A_14, %mul3A_15 : i32
      %iota3A = tpu.iota {dimensions = array<i32: 0>} : vector<16xi32>
      %add3A_17 = vector.broadcast %mul3A_16 : i32 to vector<16xi32>
      %add3A_18 = arith.addi %add3A_17, %iota3A : vector<16xi32>
      %mul3A_19 = arith.constant 64 : i32
      %mul3A_20 = vector.broadcast %mul3A_19 : i32 to vector<16xi32>
      %mul3A_21 = arith.muli %add3A_18, %mul3A_20 : vector<16xi32>
      %broadcast_in_dim3A = arith.constant 0xFF800000 : f32
      %broadcast_in_dim3A_22 = vector.broadcast %broadcast_in_dim3A : f32 to vector<16xf32>
      %broadcast_in_dim3A_23 = arith.constant 0xFF800000 : f32
      %broadcast_in_dim3A_24 = vector.broadcast %broadcast_in_dim3A_23 : f32 to vector<16xf32>
      %broadcast_in_dim3A_25 = arith.constant 0 : i32
      %broadcast_in_dim3A_26 = vector.broadcast %broadcast_in_dim3A_25 : i32 to vector<16xi32>
      %broadcast_in_dim3A_27 = arith.constant 0 : i32
      %broadcast_in_dim3A_28 = vector.broadcast %broadcast_in_dim3A_27 : i32 to vector<16xi32>
      %broadcast_in_dim3A_29 = arith.constant 0 : i32
      %broadcast_in_dim3A_30 = vector.broadcast %broadcast_in_dim3A_29 : i32 to vector<16xi32>
      %add3A_31 = arith.constant 0 : i32
      %add3A_32 = vector.broadcast %add3A_31 : i32 to vector<16xi32>
      %add3A_33 = arith.addi %mul3A_21, %add3A_32 : vector<16xi32>
      %gather3A = tpu.vector_load_idx %arg5[%add3A_33] : memref<65536xf32, #tpu.memory_space<vmem>>[vector<16xi32>], vector<16xf32>,
      %gt3A = arith.cmpf ogt, %gather3A, %broadcast_in_dim3A_22 : vector<16xf32>
      %gt3A_34 = arith.cmpf ogt, %gather3A, %broadcast_in_dim3A_24 : vector<16xf32>
      %select_n3A = arith.select %gt3A_34, %gather3A, %broadcast_in_dim3A_24 : vector<16xi1>, vector<16xf32>
      %select_n3A_35 = arith.select %gt3A, %broadcast_in_dim3A_22, %select_n3A : vector<16xi1>, vector<16xf32>
      %select_n3A_36 = arith.select %gt3A_34, %broadcast_in_dim3A_30, %broadcast_in_dim3A_28 : vector<16xi1>, vector<16xi32>
      %select_n3A_37 = arith.select %gt3A, %broadcast_in_dim3A_26, %select_n3A_36 : vector<16xi1>, vector<16xi32>
      %select_n3A_38 = arith.select %gt3A, %gather3A, %broadcast_in_dim3A_22 : vector<16xi1>, vector<16xf32>
      %select_n3A_39 = arith.select %gt3A, %broadcast_in_dim3A_30, %broadcast_in_dim3A_26 : vector<16xi1>, vector<16xi32>
      %broadcast_in_dim3A_40 = arith.constant 1 : i32
      %broadcast_in_dim3A_41 = vector.broadcast %broadcast_in_dim3A_40 : i32 to vector<16xi32>
      %add3A_42 = arith.constant 1 : i32
      %add3A_43 = vector.broadcast %add3A_42 : i32 to vector<16xi32>
      %add3A_44 = arith.addi %mul3A_21, %add3A_43 : vector<16xi32>
      %gather3A_45 = tpu.vector_load_idx %arg5[%add3A_44] : memref<65536xf32, #tpu.memory_space<vmem>>[vector<16xi32>], vector<16xf32>,
      %gt3A_46 = arith.cmpf ogt, %gather3A_45, %select_n3A_38 : vector<16xf32>
      %gt3A_47 = arith.cmpf ogt, %gather3A_45, %select_n3A_35 : vector<16xf32>
      %select_n3A_48 = arith.select %gt3A_47, %gather3A_45, %select_n3A_35 : vector<16xi1>, vector<16xf32>
      %select_n3A_49 = arith.select %gt3A_46, %select_n3A_38, %select_n3A_48 : vector<16xi1>, vector<16xf32>
      %select_n3A_50 = arith.select %gt3A_47, %broadcast_in_dim3A_41, %select_n3A_37 : vector<16xi1>, vector<16xi32>
      %select_n3A_51 = arith.select %gt3A_46, %select_n3A_39, %select_n3A_50 : vector<16xi1>, vector<16xi32>
      %select_n3A_52 = arith.select %gt3A_46, %gather3A_45, %select_n3A_38 : vector<16xi1>, vector<16xf32>
      %select_n3A_53 = arith.select %gt3A_46, %broadcast_in_dim3A_41, %select_n3A_39 : vector<16xi1>, vector<16xi32>
      %broadcast_in_dim3A_54 = arith.constant 2 : i32
      %broadcast_in_dim3A_55 = vector.broadcast %broadcast_in_dim3A_54 : i32 to vector<16xi32>
      %add3A_56 = arith.constant 2 : i32
      %add3A_57 = vector.broadcast %add3A_56 : i32 to vector<16xi32>
      %add3A_58 = arith.addi %mul3A_21, %add3A_57 : vector<16xi32>
      %gather3A_59 = tpu.vector_load_idx %arg5[%add3A_58] : memref<65536xf32, #tpu.memory_space<vmem>>[vector<16xi32>], vector<16xf32>,
      %gt3A_60 = arith.cmpf ogt, %gather3A_59, %select_n3A_52 : vector<16xf32>
      %gt3A_61 = arith.cmpf ogt, %gather3A_59, %select_n3A_49 : vector<16xf32>
      %select_n3A_62 = arith.select %gt3A_61, %gather3A_59, %select_n3A_49 : vector<16xi1>, vector<16xf32>
      %select_n3A_63 = arith.select %gt3A_60, %select_n3A_52, %select_n3A_62 : vector<16xi1>, vector<16xf32>
      %select_n3A_64 = arith.select %gt3A_61, %broadcast_in_dim3A_55, %select_n3A_51 : vector<16xi1>, vector<16xi32>
      %select_n3A_65 = arith.select %gt3A_60, %select_n3A_53, %select_n3A_64 : vector<16xi1>, vector<16xi32>
      %select_n3A_66 = arith.select %gt3A_60, %gather3A_59, %select_n3A_52 : vector<16xi1>, vector<16xf32>
      %select_n3A_67 = arith.select %gt3A_60, %broadcast_in_dim3A_55, %select_n3A_53 : vector<16xi1>, vector<16xi32>
      %broadcast_in_dim3A_68 = arith.constant 3 : i32
      %broadcast_in_dim3A_69 = vector.broadcast %broadcast_in_dim3A_68 : i32 to vector<16xi32>
      %add3A_70 = arith.constant 3 : i32
      %add3A_71 = vector.broadcast %add3A_70 : i32 to vector<16xi32>
      %add3A_72 = arith.addi %mul3A_21, %add3A_71 : vector<16xi32>
      %gather3A_73 = tpu.vector_load_idx %arg5[%add3A_72] : memref<65536xf32, #tpu.memory_space<vmem>>[vector<16xi32>], vector<16xf32>,
      %gt3A_74 = arith.cmpf ogt, %gather3A_73, %select_n3A_66 : vector<16xf32>
      %gt3A_75 = arith.cmpf ogt, %gather3A_73, %select_n3A_63 : vector<16xf32>
      %select_n3A_76 = arith.select %gt3A_75, %gather3A_73, %select_n3A_63 : vector<16xi1>, vector<16xf32>
      %select_n3A_77 = arith.select %gt3A_74, %select_n3A_66, %select_n3A_76 : vector<16xi1>, vector<16xf32>
      %select_n3A_78 = arith.select %gt3A_75, %broadcast_in_dim3A_69, %select_n3A_65 : vector<16xi1>, vector<16xi32>
      %select_n3A_79 = arith.select %gt3A_74, %select_n3A_67, %select_n3A_78 : vector<16xi1>, vector<16xi32>
      %select_n3A_80 = arith.select %gt3A_74, %gather3A_73, %select_n3A_66 : vector<16xi1>, vector<16xf32>
      %select_n3A_81 = arith.select %gt3A_74, %broadcast_in_dim3A_69, %select_n3A_67 : vector<16xi1>, vector<16xi32>
      %broadcast_in_dim3A_82 = arith.constant 4 : i32
      %broadcast_in_dim3A_83 = vector.broadcast %broadcast_in_dim3A_82 : i32 to vector<16xi32>
      %add3A_84 = arith.constant 4 : i32
      %add3A_85 = vector.broadcast %add3A_84 : i32 to vector<16xi32>
      %add3A_86 = arith.addi %mul3A_21, %add3A_85 : vector<16xi32>
      %gather3A_87 = tpu.vector_load_idx %arg5[%add3A_86] : memref<65536xf32, #tpu.memory_space<vmem>>[vector<16xi32>], vector<16xf32>,
      %gt3A_88 = arith.cmpf ogt, %gather3A_87, %select_n3A_80 : vector<16xf32>
      %gt3A_89 = arith.cmpf ogt, %gather3A_87, %select_n3A_77 : vector<16xf32>
      %select_n3A_90 = arith.select %gt3A_89, %gather3A_87, %select_n3A_77 : vector<16xi1>, vector<16xf32>
      %select_n3A_91 = arith.select %gt3A_88, %select_n3A_80, %select_n3A_90 : vector<16xi1>, vector<16xf32>
      %select_n3A_92 = arith.select %gt3A_89, %broadcast_in_dim3A_83, %select_n3A_79 : vector<16xi1>, vector<16xi32>
      %select_n3A_93 = arith.select %gt3A_88, %select_n3A_81, %select_n3A_92 : vector<16xi1>, vector<16xi32>
      %select_n3A_94 = arith.select %gt3A_88, %gather3A_87, %select_n3A_80 : vector<16xi1>, vector<16xf32>
      %select_n3A_95 = arith.select %gt3A_88, %broadcast_in_dim3A_83, %select_n3A_81 : vector<16xi1>, vector<16xi32>
      %broadcast_in_dim3A_96 = arith.constant 5 : i32
      %broadcast_in_dim3A_97 = vector.broadcast %broadcast_in_dim3A_96 : i32 to vector<16xi32>
      %add3A_98 = arith.constant 5 : i32
      %add3A_99 = vector.broadcast %add3A_98 : i32 to vector<16xi32>
      %add3A_100 = arith.addi %mul3A_21, %add3A_99 : vector<16xi32>
      %gather3A_101 = tpu.vector_load_idx %arg5[%add3A_100] : memref<65536xf32, #tpu.memory_space<vmem>>[vector<16xi32>], vector<16xf32>,
      %gt3A_102 = arith.cmpf ogt, %gather3A_101, %select_n3A_94 : vector<16xf32>
      %gt3A_103 = arith.cmpf ogt, %gather3A_101, %select_n3A_91 : vector<16xf32>
      %select_n3A_104 = arith.select %gt3A_103, %gather3A_101, %select_n3A_91 : vector<16xi1>, vector<16xf32>
      %select_n3A_105 = arith.select %gt3A_102, %select_n3A_94, %select_n3A_104 : vector<16xi1>, vector<16xf32>
      %select_n3A_106 = arith.select %gt3A_103, %broadcast_in_dim3A_97, %select_n3A_93 : vector<16xi1>, vector<16xi32>
      %select_n3A_107 = arith.select %gt3A_102, %select_n3A_95, %select_n3A_106 : vector<16xi1>, vector<16xi32>
      %select_n3A_108 = arith.select %gt3A_102, %gather3A_101, %select_n3A_94 : vector<16xi1>, vector<16xf32>
      %select_n3A_109 = arith.select %gt3A_102, %broadcast_in_dim3A_97, %select_n3A_95 : vector<16xi1>, vector<16xi32>
      %broadcast_in_dim3A_110 = arith.constant 6 : i32
      %broadcast_in_dim3A_111 = vector.broadcast %broadcast_in_dim3A_110 : i32 to vector<16xi32>
      %add3A_112 = arith.constant 6 : i32
      %add3A_113 = vector.broadcast %add3A_112 : i32 to vector<16xi32>
      %add3A_114 = arith.addi %mul3A_21, %add3A_113 : vector<16xi32>
      %gather3A_115 = tpu.vector_load_idx %arg5[%add3A_114] : memref<65536xf32, #tpu.memory_space<vmem>>[vector<16xi32>], vector<16xf32>,
      %gt3A_116 = arith.cmpf ogt, %gather3A_115, %select_n3A_108 : vector<16xf32>
      %gt3A_117 = arith.cmpf ogt, %gather3A_115, %select_n3A_105 : vector<16xf32>
      %select_n3A_118 = arith.select %gt3A_117, %gather3A_115, %select_n3A_105 : vector<16xi1>, vector<16xf32>
      %select_n3A_119 = arith.select %gt3A_116, %select_n3A_108, %select_n3A_118 : vector<16xi1>, vector<16xf32>
      %select_n3A_120 = arith.select %gt3A_117, %broadcast_in_dim3A_111, %select_n3A_107 : vector<16xi1>, vector<16xi32>
      %select_n3A_121 = arith.select %gt3A_116, %select_n3A_109, %select_n3A_120 : vector<16xi1>, vector<16xi32>
      %select_n3A_122 = arith.select %gt3A_116, %gather3A_115, %select_n3A_108 : vector<16xi1>, vector<16xf32>
      %select_n3A_123 = arith.select %gt3A_116, %broadcast_in_dim3A_111, %select_n3A_109 : vector<16xi1>, vector<16xi32>
      %broadcast_in_dim3A_124 = arith.constant 7 : i32
      %broadcast_in_dim3A_125 = vector.broadcast %broadcast_in_dim3A_124 : i32 to vector<16xi32>
      %add3A_126 = arith.constant 7 : i32
      %add3A_127 = vector.broadcast %add3A_126 : i32 to vector<16xi32>
      %add3A_128 = arith.addi %mul3A_21, %add3A_127 : vector<16xi32>
      %gather3A_129 = tpu.vector_load_idx %arg5[%add3A_128] : memref<65536xf32, #tpu.memory_space<vmem>>[vector<16xi32>], vector<16xf32>,
      %gt3A_130 = arith.cmpf ogt, %gather3A_129, %select_n3A_122 : vector<16xf32>
      %gt3A_131 = arith.cmpf ogt, %gather3A_129, %select_n3A_119 : vector<16xf32>
      %select_n3A_132 = arith.select %gt3A_131, %gather3A_129, %select_n3A_119 : vector<16xi1>, vector<16xf32>
      %select_n3A_133 = arith.select %gt3A_130, %select_n3A_122, %select_n3A_132 : vector<16xi1>, vector<16xf32>
      %select_n3A_134 = arith.select %gt3A_131, %broadcast_in_dim3A_125, %select_n3A_121 : vector<16xi1>, vector<16xi32>
      %select_n3A_135 = arith.select %gt3A_130, %select_n3A_123, %select_n3A_134 : vector<16xi1>, vector<16xi32>
      %select_n3A_136 = arith.select %gt3A_130, %gather3A_129, %select_n3A_122 : vector<16xi1>, vector<16xf32>
      %select_n3A_137 = arith.select %gt3A_130, %broadcast_in_dim3A_125, %select_n3A_123 : vector<16xi1>, vector<16xi32>
      %broadcast_in_dim3A_138 = arith.constant 8 : i32
      %broadcast_in_dim3A_139 = vector.broadcast %broadcast_in_dim3A_138 : i32 to vector<16xi32>
      %add3A_140 = arith.constant 8 : i32
      %add3A_141 = vector.broadcast %add3A_140 : i32 to vector<16xi32>
      %add3A_142 = arith.addi %mul3A_21, %add3A_141 : vector<16xi32>
      %gather3A_143 = tpu.vector_load_idx %arg5[%add3A_142] : memref<65536xf32, #tpu.memory_space<vmem>>[vector<16xi32>], vector<16xf32>,
      %gt3A_144 = arith.cmpf ogt, %gather3A_143, %select_n3A_136 : vector<16xf32>
      %gt3A_145 = arith.cmpf ogt, %gather3A_143, %select_n3A_133 : vector<16xf32>
      %select_n3A_146 = arith.select %gt3A_145, %gather3A_143, %select_n3A_133 : vector<16xi1>, vector<16xf32>
      %select_n3A_147 = arith.select %gt3A_144, %select_n3A_136, %select_n3A_146 : vector<16xi1>, vector<16xf32>
      %select_n3A_148 = arith.select %gt3A_145, %broadcast_in_dim3A_139, %select_n3A_135 : vector<16xi1>, vector<16xi32>
      %select_n3A_149 = arith.select %gt3A_144, %select_n3A_137, %select_n3A_148 : vector<16xi1>, vector<16xi32>
      %select_n3A_150 = arith.select %gt3A_144, %gather3A_143, %select_n3A_136 : vector<16xi1>, vector<16xf32>
      %select_n3A_151 = arith.select %gt3A_144, %broadcast_in_dim3A_139, %select_n3A_137 : vector<16xi1>, vector<16xi32>
      %broadcast_in_dim3A_152 = arith.constant 9 : i32
      %broadcast_in_dim3A_153 = vector.broadcast %broadcast_in_dim3A_152 : i32 to vector<16xi32>
      %add3A_154 = arith.constant 9 : i32
      %add3A_155 = vector.broadcast %add3A_154 : i32 to vector<16xi32>
      %add3A_156 = arith.addi %mul3A_21, %add3A_155 : vector<16xi32>
      %gather3A_157 = tpu.vector_load_idx %arg5[%add3A_156] : memref<65536xf32, #tpu.memory_space<vmem>>[vector<16xi32>], vector<16xf32>,
      %gt3A_158 = arith.cmpf ogt, %gather3A_157, %select_n3A_150 : vector<16xf32>
      %gt3A_159 = arith.cmpf ogt, %gather3A_157, %select_n3A_147 : vector<16xf32>
      %select_n3A_160 = arith.select %gt3A_159, %gather3A_157, %select_n3A_147 : vector<16xi1>, vector<16xf32>
      %select_n3A_161 = arith.select %gt3A_158, %select_n3A_150, %select_n3A_160 : vector<16xi1>, vector<16xf32>
      %select_n3A_162 = arith.select %gt3A_159, %broadcast_in_dim3A_153, %select_n3A_149 : vector<16xi1>, vector<16xi32>
      %select_n3A_163 = arith.select %gt3A_158, %select_n3A_151, %select_n3A_162 : vector<16xi1>, vector<16xi32>
      %select_n3A_164 = arith.select %gt3A_158, %gather3A_157, %select_n3A_150 : vector<16xi1>, vector<16xf32>
      %select_n3A_165 = arith.select %gt3A_158, %broadcast_in_dim3A_153, %select_n3A_151 : vector<16xi1>, vector<16xi32>
      %broadcast_in_dim3A_166 = arith.constant 10 : i32
      %broadcast_in_dim3A_167 = vector.broadcast %broadcast_in_dim3A_166 : i32 to vector<16xi32>
      %add3A_168 = arith.constant 10 : i32
      %add3A_169 = vector.broadcast %add3A_168 : i32 to vector<16xi32>
      %add3A_170 = arith.addi %mul3A_21, %add3A_169 : vector<16xi32>
      %gather3A_171 = tpu.vector_load_idx %arg5[%add3A_170] : memref<65536xf32, #tpu.memory_space<vmem>>[vector<16xi32>], vector<16xf32>,
      %gt3A_172 = arith.cmpf ogt, %gather3A_171, %select_n3A_164 : vector<16xf32>
      %gt3A_173 = arith.cmpf ogt, %gather3A_171, %select_n3A_161 : vector<16xf32>
      %select_n3A_174 = arith.select %gt3A_173, %gather3A_171, %select_n3A_161 : vector<16xi1>, vector<16xf32>
      %select_n3A_175 = arith.select %gt3A_172, %select_n3A_164, %select_n3A_174 : vector<16xi1>, vector<16xf32>
      %select_n3A_176 = arith.select %gt3A_173, %broadcast_in_dim3A_167, %select_n3A_163 : vector<16xi1>, vector<16xi32>
      %select_n3A_177 = arith.select %gt3A_172, %select_n3A_165, %select_n3A_176 : vector<16xi1>, vector<16xi32>
      %select_n3A_178 = arith.select %gt3A_172, %gather3A_171, %select_n3A_164 : vector<16xi1>, vector<16xf32>
      %select_n3A_179 = arith.select %gt3A_172, %broadcast_in_dim3A_167, %select_n3A_165 : vector<16xi1>, vector<16xi32>
      %broadcast_in_dim3A_180 = arith.constant 11 : i32
      %broadcast_in_dim3A_181 = vector.broadcast %broadcast_in_dim3A_180 : i32 to vector<16xi32>
      %add3A_182 = arith.constant 11 : i32
      %add3A_183 = vector.broadcast %add3A_182 : i32 to vector<16xi32>
      %add3A_184 = arith.addi %mul3A_21, %add3A_183 : vector<16xi32>
      %gather3A_185 = tpu.vector_load_idx %arg5[%add3A_184] : memref<65536xf32, #tpu.memory_space<vmem>>[vector<16xi32>], vector<16xf32>,
      %gt3A_186 = arith.cmpf ogt, %gather3A_185, %select_n3A_178 : vector<16xf32>
      %gt3A_187 = arith.cmpf ogt, %gather3A_185, %select_n3A_175 : vector<16xf32>
      %select_n3A_188 = arith.select %gt3A_187, %gather3A_185, %select_n3A_175 : vector<16xi1>, vector<16xf32>
      %select_n3A_189 = arith.select %gt3A_186, %select_n3A_178, %select_n3A_188 : vector<16xi1>, vector<16xf32>
      %select_n3A_190 = arith.select %gt3A_187, %broadcast_in_dim3A_181, %select_n3A_177 : vector<16xi1>, vector<16xi32>
      %select_n3A_191 = arith.select %gt3A_186, %select_n3A_179, %select_n3A_190 : vector<16xi1>, vector<16xi32>
      %select_n3A_192 = arith.select %gt3A_186, %gather3A_185, %select_n3A_178 : vector<16xi1>, vector<16xf32>
      %select_n3A_193 = arith.select %gt3A_186, %broadcast_in_dim3A_181, %select_n3A_179 : vector<16xi1>, vector<16xi32>
      %broadcast_in_dim3A_194 = arith.constant 12 : i32
      %broadcast_in_dim3A_195 = vector.broadcast %broadcast_in_dim3A_194 : i32 to vector<16xi32>
      %add3A_196 = arith.constant 12 : i32
      %add3A_197 = vector.broadcast %add3A_196 : i32 to vector<16xi32>
      %add3A_198 = arith.addi %mul3A_21, %add3A_197 : vector<16xi32>
      %gather3A_199 = tpu.vector_load_idx %arg5[%add3A_198] : memref<65536xf32, #tpu.memory_space<vmem>>[vector<16xi32>], vector<16xf32>,
      %gt3A_200 = arith.cmpf ogt, %gather3A_199, %select_n3A_192 : vector<16xf32>
      %gt3A_201 = arith.cmpf ogt, %gather3A_199, %select_n3A_189 : vector<16xf32>
      %select_n3A_202 = arith.select %gt3A_201, %gather3A_199, %select_n3A_189 : vector<16xi1>, vector<16xf32>
      %select_n3A_203 = arith.select %gt3A_200, %select_n3A_192, %select_n3A_202 : vector<16xi1>, vector<16xf32>
      %select_n3A_204 = arith.select %gt3A_201, %broadcast_in_dim3A_195, %select_n3A_191 : vector<16xi1>, vector<16xi32>
      %select_n3A_205 = arith.select %gt3A_200, %select_n3A_193, %select_n3A_204 : vector<16xi1>, vector<16xi32>
      %select_n3A_206 = arith.select %gt3A_200, %gather3A_199, %select_n3A_192 : vector<16xi1>, vector<16xf32>
      %select_n3A_207 = arith.select %gt3A_200, %broadcast_in_dim3A_195, %select_n3A_193 : vector<16xi1>, vector<16xi32>
      %broadcast_in_dim3A_208 = arith.constant 13 : i32
      %broadcast_in_dim3A_209 = vector.broadcast %broadcast_in_dim3A_208 : i32 to vector<16xi32>
      %add3A_210 = arith.constant 13 : i32
      %add3A_211 = vector.broadcast %add3A_210 : i32 to vector<16xi32>
      %add3A_212 = arith.addi %mul3A_21, %add3A_211 : vector<16xi32>
      %gather3A_213 = tpu.vector_load_idx %arg5[%add3A_212] : memref<65536xf32, #tpu.memory_space<vmem>>[vector<16xi32>], vector<16xf32>,
      %gt3A_214 = arith.cmpf ogt, %gather3A_213, %select_n3A_206 : vector<16xf32>
      %gt3A_215 = arith.cmpf ogt, %gather3A_213, %select_n3A_203 : vector<16xf32>
      %select_n3A_216 = arith.select %gt3A_215, %gather3A_213, %select_n3A_203 : vector<16xi1>, vector<16xf32>
      %select_n3A_217 = arith.select %gt3A_214, %select_n3A_206, %select_n3A_216 : vector<16xi1>, vector<16xf32>
      %select_n3A_218 = arith.select %gt3A_215, %broadcast_in_dim3A_209, %select_n3A_205 : vector<16xi1>, vector<16xi32>
      %select_n3A_219 = arith.select %gt3A_214, %select_n3A_207, %select_n3A_218 : vector<16xi1>, vector<16xi32>
      %select_n3A_220 = arith.select %gt3A_214, %gather3A_213, %select_n3A_206 : vector<16xi1>, vector<16xf32>
      %select_n3A_221 = arith.select %gt3A_214, %broadcast_in_dim3A_209, %select_n3A_207 : vector<16xi1>, vector<16xi32>
      %broadcast_in_dim3A_222 = arith.constant 14 : i32
      %broadcast_in_dim3A_223 = vector.broadcast %broadcast_in_dim3A_222 : i32 to vector<16xi32>
      %add3A_224 = arith.constant 14 : i32
      %add3A_225 = vector.broadcast %add3A_224 : i32 to vector<16xi32>
      %add3A_226 = arith.addi %mul3A_21, %add3A_225 : vector<16xi32>
      %gather3A_227 = tpu.vector_load_idx %arg5[%add3A_226] : memref<65536xf32, #tpu.memory_space<vmem>>[vector<16xi32>], vector<16xf32>,
      %gt3A_228 = arith.cmpf ogt, %gather3A_227, %select_n3A_220 : vector<16xf32>
      %gt3A_229 = arith.cmpf ogt, %gather3A_227, %select_n3A_217 : vector<16xf32>
      %select_n3A_230 = arith.select %gt3A_229, %gather3A_227, %select_n3A_217 : vector<16xi1>, vector<16xf32>
      %select_n3A_231 = arith.select %gt3A_228, %select_n3A_220, %select_n3A_230 : vector<16xi1>, vector<16xf32>
      %select_n3A_232 = arith.select %gt3A_229, %broadcast_in_dim3A_223, %select_n3A_219 : vector<16xi1>, vector<16xi32>
      %select_n3A_233 = arith.select %gt3A_228, %select_n3A_221, %select_n3A_232 : vector<16xi1>, vector<16xi32>
      %select_n3A_234 = arith.select %gt3A_228, %gather3A_227, %select_n3A_220 : vector<16xi1>, vector<16xf32>
      %select_n3A_235 = arith.select %gt3A_228, %broadcast_in_dim3A_223, %select_n3A_221 : vector<16xi1>, vector<16xi32>
      %broadcast_in_dim3A_236 = arith.constant 15 : i32
      %broadcast_in_dim3A_237 = vector.broadcast %broadcast_in_dim3A_236 : i32 to vector<16xi32>
      %add3A_238 = arith.constant 15 : i32
      %add3A_239 = vector.broadcast %add3A_238 : i32 to vector<16xi32>
      %add3A_240 = arith.addi %mul3A_21, %add3A_239 : vector<16xi32>
      %gather3A_241 = tpu.vector_load_idx %arg5[%add3A_240] : memref<65536xf32, #tpu.memory_space<vmem>>[vector<16xi32>], vector<16xf32>,
      %gt3A_242 = arith.cmpf ogt, %gather3A_241, %select_n3A_234 : vector<16xf32>
      %gt3A_243 = arith.cmpf ogt, %gather3A_241, %select_n3A_231 : vector<16xf32>
      %select_n3A_244 = arith.select %gt3A_243, %gather3A_241, %select_n3A_231 : vector<16xi1>, vector<16xf32>
      %select_n3A_245 = arith.select %gt3A_242, %select_n3A_234, %select_n3A_244 : vector<16xi1>, vector<16xf32>
      %select_n3A_246 = arith.select %gt3A_243, %broadcast_in_dim3A_237, %select_n3A_233 : vector<16xi1>, vector<16xi32>
      %select_n3A_247 = arith.select %gt3A_242, %select_n3A_235, %select_n3A_246 : vector<16xi1>, vector<16xi32>
      %select_n3A_248 = arith.select %gt3A_242, %gather3A_241, %select_n3A_234 : vector<16xi1>, vector<16xf32>
      %select_n3A_249 = arith.select %gt3A_242, %broadcast_in_dim3A_237, %select_n3A_235 : vector<16xi1>, vector<16xi32>
      %broadcast_in_dim3A_250 = arith.constant 16 : i32
      %broadcast_in_dim3A_251 = vector.broadcast %broadcast_in_dim3A_250 : i32 to vector<16xi32>
      %add3A_252 = arith.constant 16 : i32
      %add3A_253 = vector.broadcast %add3A_252 : i32 to vector<16xi32>
      %add3A_254 = arith.addi %mul3A_21, %add3A_253 : vector<16xi32>
      %gather3A_255 = tpu.vector_load_idx %arg5[%add3A_254] : memref<65536xf32, #tpu.memory_space<vmem>>[vector<16xi32>], vector<16xf32>,
      %gt3A_256 = arith.cmpf ogt, %gather3A_255, %select_n3A_248 : vector<16xf32>
      %gt3A_257 = arith.cmpf ogt, %gather3A_255, %select_n3A_245 : vector<16xf32>
      %select_n3A_258 = arith.select %gt3A_257, %gather3A_255, %select_n3A_245 : vector<16xi1>, vector<16xf32>
      %select_n3A_259 = arith.select %gt3A_256, %select_n3A_248, %select_n3A_258 : vector<16xi1>, vector<16xf32>
      %select_n3A_260 = arith.select %gt3A_257, %broadcast_in_dim3A_251, %select_n3A_247 : vector<16xi1>, vector<16xi32>
      %select_n3A_261 = arith.select %gt3A_256, %select_n3A_249, %select_n3A_260 : vector<16xi1>, vector<16xi32>
      %select_n3A_262 = arith.select %gt3A_256, %gather3A_255, %select_n3A_248 : vector<16xi1>, vector<16xf32>
      %select_n3A_263 = arith.select %gt3A_256, %broadcast_in_dim3A_251, %select_n3A_249 : vector<16xi1>, vector<16xi32>
      %broadcast_in_dim3A_264 = arith.constant 17 : i32
      %broadcast_in_dim3A_265 = vector.broadcast %broadcast_in_dim3A_264 : i32 to vector<16xi32>
      %add3A_266 = arith.constant 17 : i32
      %add3A_267 = vector.broadcast %add3A_266 : i32 to vector<16xi32>
      %add3A_268 = arith.addi %mul3A_21, %add3A_267 : vector<16xi32>
      %gather3A_269 = tpu.vector_load_idx %arg5[%add3A_268] : memref<65536xf32, #tpu.memory_space<vmem>>[vector<16xi32>], vector<16xf32>,
      %gt3A_270 = arith.cmpf ogt, %gather3A_269, %select_n3A_262 : vector<16xf32>
      %gt3A_271 = arith.cmpf ogt, %gather3A_269, %select_n3A_259 : vector<16xf32>
      %select_n3A_272 = arith.select %gt3A_271, %gather3A_269, %select_n3A_259 : vector<16xi1>, vector<16xf32>
      %select_n3A_273 = arith.select %gt3A_270, %select_n3A_262, %select_n3A_272 : vector<16xi1>, vector<16xf32>
      %select_n3A_274 = arith.select %gt3A_271, %broadcast_in_dim3A_265, %select_n3A_261 : vector<16xi1>, vector<16xi32>
      %select_n3A_275 = arith.select %gt3A_270, %select_n3A_263, %select_n3A_274 : vector<16xi1>, vector<16xi32>
      %select_n3A_276 = arith.select %gt3A_270, %gather3A_269, %select_n3A_262 : vector<16xi1>, vector<16xf32>
      %select_n3A_277 = arith.select %gt3A_270, %broadcast_in_dim3A_265, %select_n3A_263 : vector<16xi1>, vector<16xi32>
      %broadcast_in_dim3A_278 = arith.constant 18 : i32
      %broadcast_in_dim3A_279 = vector.broadcast %broadcast_in_dim3A_278 : i32 to vector<16xi32>
      %add3A_280 = arith.constant 18 : i32
      %add3A_281 = vector.broadcast %add3A_280 : i32 to vector<16xi32>
      %add3A_282 = arith.addi %mul3A_21, %add3A_281 : vector<16xi32>
      %gather3A_283 = tpu.vector_load_idx %arg5[%add3A_282] : memref<65536xf32, #tpu.memory_space<vmem>>[vector<16xi32>], vector<16xf32>,
      %gt3A_284 = arith.cmpf ogt, %gather3A_283, %select_n3A_276 : vector<16xf32>
      %gt3A_285 = arith.cmpf ogt, %gather3A_283, %select_n3A_273 : vector<16xf32>
      %select_n3A_286 = arith.select %gt3A_285, %gather3A_283, %select_n3A_273 : vector<16xi1>, vector<16xf32>
      %select_n3A_287 = arith.select %gt3A_284, %select_n3A_276, %select_n3A_286 : vector<16xi1>, vector<16xf32>
      %select_n3A_288 = arith.select %gt3A_285, %broadcast_in_dim3A_279, %select_n3A_275 : vector<16xi1>, vector<16xi32>
      %select_n3A_289 = arith.select %gt3A_284, %select_n3A_277, %select_n3A_288 : vector<16xi1>, vector<16xi32>
      %select_n3A_290 = arith.select %gt3A_284, %gather3A_283, %select_n3A_276 : vector<16xi1>, vector<16xf32>
      %select_n3A_291 = arith.select %gt3A_284, %broadcast_in_dim3A_279, %select_n3A_277 : vector<16xi1>, vector<16xi32>
      %broadcast_in_dim3A_292 = arith.constant 19 : i32
      %broadcast_in_dim3A_293 = vector.broadcast %broadcast_in_dim3A_292 : i32 to vector<16xi32>
      %add3A_294 = arith.constant 19 : i32
      %add3A_295 = vector.broadcast %add3A_294 : i32 to vector<16xi32>
      %add3A_296 = arith.addi %mul3A_21, %add3A_295 : vector<16xi32>
      %gather3A_297 = tpu.vector_load_idx %arg5[%add3A_296] : memref<65536xf32, #tpu.memory_space<vmem>>[vector<16xi32>], vector<16xf32>,
      %gt3A_298 = arith.cmpf ogt, %gather3A_297, %select_n3A_290 : vector<16xf32>
      %gt3A_299 = arith.cmpf ogt, %gather3A_297, %select_n3A_287 : vector<16xf32>
      %select_n3A_300 = arith.select %gt3A_299, %gather3A_297, %select_n3A_287 : vector<16xi1>, vector<16xf32>
      %select_n3A_301 = arith.select %gt3A_298, %select_n3A_290, %select_n3A_300 : vector<16xi1>, vector<16xf32>
      %select_n3A_302 = arith.select %gt3A_299, %broadcast_in_dim3A_293, %select_n3A_289 : vector<16xi1>, vector<16xi32>
      %select_n3A_303 = arith.select %gt3A_298, %select_n3A_291, %select_n3A_302 : vector<16xi1>, vector<16xi32>
      %select_n3A_304 = arith.select %gt3A_298, %gather3A_297, %select_n3A_290 : vector<16xi1>, vector<16xf32>
      %select_n3A_305 = arith.select %gt3A_298, %broadcast_in_dim3A_293, %select_n3A_291 : vector<16xi1>, vector<16xi32>
      %broadcast_in_dim3A_306 = arith.constant 20 : i32
      %broadcast_in_dim3A_307 = vector.broadcast %broadcast_in_dim3A_306 : i32 to vector<16xi32>
      %add3A_308 = arith.constant 20 : i32
      %add3A_309 = vector.broadcast %add3A_308 : i32 to vector<16xi32>
      %add3A_310 = arith.addi %mul3A_21, %add3A_309 : vector<16xi32>
      %gather3A_311 = tpu.vector_load_idx %arg5[%add3A_310] : memref<65536xf32, #tpu.memory_space<vmem>>[vector<16xi32>], vector<16xf32>,
      %gt3A_312 = arith.cmpf ogt, %gather3A_311, %select_n3A_304 : vector<16xf32>
      %gt3A_313 = arith.cmpf ogt, %gather3A_311, %select_n3A_301 : vector<16xf32>
      %select_n3A_314 = arith.select %gt3A_313, %gather3A_311, %select_n3A_301 : vector<16xi1>, vector<16xf32>
      %select_n3A_315 = arith.select %gt3A_312, %select_n3A_304, %select_n3A_314 : vector<16xi1>, vector<16xf32>
      %select_n3A_316 = arith.select %gt3A_313, %broadcast_in_dim3A_307, %select_n3A_303 : vector<16xi1>, vector<16xi32>
      %select_n3A_317 = arith.select %gt3A_312, %select_n3A_305, %select_n3A_316 : vector<16xi1>, vector<16xi32>
      %select_n3A_318 = arith.select %gt3A_312, %gather3A_311, %select_n3A_304 : vector<16xi1>, vector<16xf32>
      %select_n3A_319 = arith.select %gt3A_312, %broadcast_in_dim3A_307, %select_n3A_305 : vector<16xi1>, vector<16xi32>
      %broadcast_in_dim3A_320 = arith.constant 21 : i32
      %broadcast_in_dim3A_321 = vector.broadcast %broadcast_in_dim3A_320 : i32 to vector<16xi32>
      %add3A_322 = arith.constant 21 : i32
      %add3A_323 = vector.broadcast %add3A_322 : i32 to vector<16xi32>
      %add3A_324 = arith.addi %mul3A_21, %add3A_323 : vector<16xi32>
      %gather3A_325 = tpu.vector_load_idx %arg5[%add3A_324] : memref<65536xf32, #tpu.memory_space<vmem>>[vector<16xi32>], vector<16xf32>,
      %gt3A_326 = arith.cmpf ogt, %gather3A_325, %select_n3A_318 : vector<16xf32>
      %gt3A_327 = arith.cmpf ogt, %gather3A_325, %select_n3A_315 : vector<16xf32>
      %select_n3A_328 = arith.select %gt3A_327, %gather3A_325, %select_n3A_315 : vector<16xi1>, vector<16xf32>
      %select_n3A_329 = arith.select %gt3A_326, %select_n3A_318, %select_n3A_328 : vector<16xi1>, vector<16xf32>
      %select_n3A_330 = arith.select %gt3A_327, %broadcast_in_dim3A_321, %select_n3A_317 : vector<16xi1>, vector<16xi32>
      %select_n3A_331 = arith.select %gt3A_326, %select_n3A_319, %select_n3A_330 : vector<16xi1>, vector<16xi32>
      %select_n3A_332 = arith.select %gt3A_326, %gather3A_325, %select_n3A_318 : vector<16xi1>, vector<16xf32>
      %select_n3A_333 = arith.select %gt3A_326, %broadcast_in_dim3A_321, %select_n3A_319 : vector<16xi1>, vector<16xi32>
      %broadcast_in_dim3A_334 = arith.constant 22 : i32
      %broadcast_in_dim3A_335 = vector.broadcast %broadcast_in_dim3A_334 : i32 to vector<16xi32>
      %add3A_336 = arith.constant 22 : i32
      %add3A_337 = vector.broadcast %add3A_336 : i32 to vector<16xi32>
      %add3A_338 = arith.addi %mul3A_21, %add3A_337 : vector<16xi32>
      %gather3A_339 = tpu.vector_load_idx %arg5[%add3A_338] : memref<65536xf32, #tpu.memory_space<vmem>>[vector<16xi32>], vector<16xf32>,
      %gt3A_340 = arith.cmpf ogt, %gather3A_339, %select_n3A_332 : vector<16xf32>
      %gt3A_341 = arith.cmpf ogt, %gather3A_339, %select_n3A_329 : vector<16xf32>
      %select_n3A_342 = arith.select %gt3A_341, %gather3A_339, %select_n3A_329 : vector<16xi1>, vector<16xf32>
      %select_n3A_343 = arith.select %gt3A_340, %select_n3A_332, %select_n3A_342 : vector<16xi1>, vector<16xf32>
      %select_n3A_344 = arith.select %gt3A_341, %broadcast_in_dim3A_335, %select_n3A_331 : vector<16xi1>, vector<16xi32>
      %select_n3A_345 = arith.select %gt3A_340, %select_n3A_333, %select_n3A_344 : vector<16xi1>, vector<16xi32>
      %select_n3A_346 = arith.select %gt3A_340, %gather3A_339, %select_n3A_332 : vector<16xi1>, vector<16xf32>
      %select_n3A_347 = arith.select %gt3A_340, %broadcast_in_dim3A_335, %select_n3A_333 : vector<16xi1>, vector<16xi32>
      %broadcast_in_dim3A_348 = arith.constant 23 : i32
      %broadcast_in_dim3A_349 = vector.broadcast %broadcast_in_dim3A_348 : i32 to vector<16xi32>
      %add3A_350 = arith.constant 23 : i32
      %add3A_351 = vector.broadcast %add3A_350 : i32 to vector<16xi32>
      %add3A_352 = arith.addi %mul3A_21, %add3A_351 : vector<16xi32>
      %gather3A_353 = tpu.vector_load_idx %arg5[%add3A_352] : memref<65536xf32, #tpu.memory_space<vmem>>[vector<16xi32>], vector<16xf32>,
      %gt3A_354 = arith.cmpf ogt, %gather3A_353, %select_n3A_346 : vector<16xf32>
      %gt3A_355 = arith.cmpf ogt, %gather3A_353, %select_n3A_343 : vector<16xf32>
      %select_n3A_356 = arith.select %gt3A_355, %gather3A_353, %select_n3A_343 : vector<16xi1>, vector<16xf32>
      %select_n3A_357 = arith.select %gt3A_354, %select_n3A_346, %select_n3A_356 : vector<16xi1>, vector<16xf32>
      %select_n3A_358 = arith.select %gt3A_355, %broadcast_in_dim3A_349, %select_n3A_345 : vector<16xi1>, vector<16xi32>
      %select_n3A_359 = arith.select %gt3A_354, %select_n3A_347, %select_n3A_358 : vector<16xi1>, vector<16xi32>
      %select_n3A_360 = arith.select %gt3A_354, %gather3A_353, %select_n3A_346 : vector<16xi1>, vector<16xf32>
      %select_n3A_361 = arith.select %gt3A_354, %broadcast_in_dim3A_349, %select_n3A_347 : vector<16xi1>, vector<16xi32>
      %broadcast_in_dim3A_362 = arith.constant 24 : i32
      %broadcast_in_dim3A_363 = vector.broadcast %broadcast_in_dim3A_362 : i32 to vector<16xi32>
      %add3A_364 = arith.constant 24 : i32
      %add3A_365 = vector.broadcast %add3A_364 : i32 to vector<16xi32>
      %add3A_366 = arith.addi %mul3A_21, %add3A_365 : vector<16xi32>
      %gather3A_367 = tpu.vector_load_idx %arg5[%add3A_366] : memref<65536xf32, #tpu.memory_space<vmem>>[vector<16xi32>], vector<16xf32>,
      %gt3A_368 = arith.cmpf ogt, %gather3A_367, %select_n3A_360 : vector<16xf32>
      %gt3A_369 = arith.cmpf ogt, %gather3A_367, %select_n3A_357 : vector<16xf32>
      %select_n3A_370 = arith.select %gt3A_369, %gather3A_367, %select_n3A_357 : vector<16xi1>, vector<16xf32>
      %select_n3A_371 = arith.select %gt3A_368, %select_n3A_360, %select_n3A_370 : vector<16xi1>, vector<16xf32>
      %select_n3A_372 = arith.select %gt3A_369, %broadcast_in_dim3A_363, %select_n3A_359 : vector<16xi1>, vector<16xi32>
      %select_n3A_373 = arith.select %gt3A_368, %select_n3A_361, %select_n3A_372 : vector<16xi1>, vector<16xi32>
      %select_n3A_374 = arith.select %gt3A_368, %gather3A_367, %select_n3A_360 : vector<16xi1>, vector<16xf32>
      %select_n3A_375 = arith.select %gt3A_368, %broadcast_in_dim3A_363, %select_n3A_361 : vector<16xi1>, vector<16xi32>
      %broadcast_in_dim3A_376 = arith.constant 25 : i32
      %broadcast_in_dim3A_377 = vector.broadcast %broadcast_in_dim3A_376 : i32 to vector<16xi32>
      %add3A_378 = arith.constant 25 : i32
      %add3A_379 = vector.broadcast %add3A_378 : i32 to vector<16xi32>
      %add3A_380 = arith.addi %mul3A_21, %add3A_379 : vector<16xi32>
      %gather3A_381 = tpu.vector_load_idx %arg5[%add3A_380] : memref<65536xf32, #tpu.memory_space<vmem>>[vector<16xi32>], vector<16xf32>,
      %gt3A_382 = arith.cmpf ogt, %gather3A_381, %select_n3A_374 : vector<16xf32>
      %gt3A_383 = arith.cmpf ogt, %gather3A_381, %select_n3A_371 : vector<16xf32>
      %select_n3A_384 = arith.select %gt3A_383, %gather3A_381, %select_n3A_371 : vector<16xi1>, vector<16xf32>
      %select_n3A_385 = arith.select %gt3A_382, %select_n3A_374, %select_n3A_384 : vector<16xi1>, vector<16xf32>
      %select_n3A_386 = arith.select %gt3A_383, %broadcast_in_dim3A_377, %select_n3A_373 : vector<16xi1>, vector<16xi32>
      %select_n3A_387 = arith.select %gt3A_382, %select_n3A_375, %select_n3A_386 : vector<16xi1>, vector<16xi32>
      %select_n3A_388 = arith.select %gt3A_382, %gather3A_381, %select_n3A_374 : vector<16xi1>, vector<16xf32>
      %select_n3A_389 = arith.select %gt3A_382, %broadcast_in_dim3A_377, %select_n3A_375 : vector<16xi1>, vector<16xi32>
      %broadcast_in_dim3A_390 = arith.constant 26 : i32
      %broadcast_in_dim3A_391 = vector.broadcast %broadcast_in_dim3A_390 : i32 to vector<16xi32>
      %add3A_392 = arith.constant 26 : i32
      %add3A_393 = vector.broadcast %add3A_392 : i32 to vector<16xi32>
      %add3A_394 = arith.addi %mul3A_21, %add3A_393 : vector<16xi32>
      %gather3A_395 = tpu.vector_load_idx %arg5[%add3A_394] : memref<65536xf32, #tpu.memory_space<vmem>>[vector<16xi32>], vector<16xf32>,
      %gt3A_396 = arith.cmpf ogt, %gather3A_395, %select_n3A_388 : vector<16xf32>
      %gt3A_397 = arith.cmpf ogt, %gather3A_395, %select_n3A_385 : vector<16xf32>
      %select_n3A_398 = arith.select %gt3A_397, %gather3A_395, %select_n3A_385 : vector<16xi1>, vector<16xf32>
      %select_n3A_399 = arith.select %gt3A_396, %select_n3A_388, %select_n3A_398 : vector<16xi1>, vector<16xf32>
      %select_n3A_400 = arith.select %gt3A_397, %broadcast_in_dim3A_391, %select_n3A_387 : vector<16xi1>, vector<16xi32>
      %select_n3A_401 = arith.select %gt3A_396, %select_n3A_389, %select_n3A_400 : vector<16xi1>, vector<16xi32>
      %select_n3A_402 = arith.select %gt3A_396, %gather3A_395, %select_n3A_388 : vector<16xi1>, vector<16xf32>
      %select_n3A_403 = arith.select %gt3A_396, %broadcast_in_dim3A_391, %select_n3A_389 : vector<16xi1>, vector<16xi32>
      %broadcast_in_dim3A_404 = arith.constant 27 : i32
      %broadcast_in_dim3A_405 = vector.broadcast %broadcast_in_dim3A_404 : i32 to vector<16xi32>
      %add3A_406 = arith.constant 27 : i32
      %add3A_407 = vector.broadcast %add3A_406 : i32 to vector<16xi32>
      %add3A_408 = arith.addi %mul3A_21, %add3A_407 : vector<16xi32>
      %gather3A_409 = tpu.vector_load_idx %arg5[%add3A_408] : memref<65536xf32, #tpu.memory_space<vmem>>[vector<16xi32>], vector<16xf32>,
      %gt3A_410 = arith.cmpf ogt, %gather3A_409, %select_n3A_402 : vector<16xf32>
      %gt3A_411 = arith.cmpf ogt, %gather3A_409, %select_n3A_399 : vector<16xf32>
      %select_n3A_412 = arith.select %gt3A_411, %gather3A_409, %select_n3A_399 : vector<16xi1>, vector<16xf32>
      %select_n3A_413 = arith.select %gt3A_410, %select_n3A_402, %select_n3A_412 : vector<16xi1>, vector<16xf32>
      %select_n3A_414 = arith.select %gt3A_411, %broadcast_in_dim3A_405, %select_n3A_401 : vector<16xi1>, vector<16xi32>
      %select_n3A_415 = arith.select %gt3A_410, %select_n3A_403, %select_n3A_414 : vector<16xi1>, vector<16xi32>
      %select_n3A_416 = arith.select %gt3A_410, %gather3A_409, %select_n3A_402 : vector<16xi1>, vector<16xf32>
      %select_n3A_417 = arith.select %gt3A_410, %broadcast_in_dim3A_405, %select_n3A_403 : vector<16xi1>, vector<16xi32>
      %broadcast_in_dim3A_418 = arith.constant 28 : i32
      %broadcast_in_dim3A_419 = vector.broadcast %broadcast_in_dim3A_418 : i32 to vector<16xi32>
      %add3A_420 = arith.constant 28 : i32
      %add3A_421 = vector.broadcast %add3A_420 : i32 to vector<16xi32>
      %add3A_422 = arith.addi %mul3A_21, %add3A_421 : vector<16xi32>
      %gather3A_423 = tpu.vector_load_idx %arg5[%add3A_422] : memref<65536xf32, #tpu.memory_space<vmem>>[vector<16xi32>], vector<16xf32>,
      %gt3A_424 = arith.cmpf ogt, %gather3A_423, %select_n3A_416 : vector<16xf32>
      %gt3A_425 = arith.cmpf ogt, %gather3A_423, %select_n3A_413 : vector<16xf32>
      %select_n3A_426 = arith.select %gt3A_425, %gather3A_423, %select_n3A_413 : vector<16xi1>, vector<16xf32>
      %select_n3A_427 = arith.select %gt3A_424, %select_n3A_416, %select_n3A_426 : vector<16xi1>, vector<16xf32>
      %select_n3A_428 = arith.select %gt3A_425, %broadcast_in_dim3A_419, %select_n3A_415 : vector<16xi1>, vector<16xi32>
      %select_n3A_429 = arith.select %gt3A_424, %select_n3A_417, %select_n3A_428 : vector<16xi1>, vector<16xi32>
      %select_n3A_430 = arith.select %gt3A_424, %gather3A_423, %select_n3A_416 : vector<16xi1>, vector<16xf32>
      %select_n3A_431 = arith.select %gt3A_424, %broadcast_in_dim3A_419, %select_n3A_417 : vector<16xi1>, vector<16xi32>
      %broadcast_in_dim3A_432 = arith.constant 29 : i32
      %broadcast_in_dim3A_433 = vector.broadcast %broadcast_in_dim3A_432 : i32 to vector<16xi32>
      %add3A_434 = arith.constant 29 : i32
      %add3A_435 = vector.broadcast %add3A_434 : i32 to vector<16xi32>
      %add3A_436 = arith.addi %mul3A_21, %add3A_435 : vector<16xi32>
      %gather3A_437 = tpu.vector_load_idx %arg5[%add3A_436] : memref<65536xf32, #tpu.memory_space<vmem>>[vector<16xi32>], vector<16xf32>,
      %gt3A_438 = arith.cmpf ogt, %gather3A_437, %select_n3A_430 : vector<16xf32>
      %gt3A_439 = arith.cmpf ogt, %gather3A_437, %select_n3A_427 : vector<16xf32>
      %select_n3A_440 = arith.select %gt3A_439, %gather3A_437, %select_n3A_427 : vector<16xi1>, vector<16xf32>
      %select_n3A_441 = arith.select %gt3A_438, %select_n3A_430, %select_n3A_440 : vector<16xi1>, vector<16xf32>
      %select_n3A_442 = arith.select %gt3A_439, %broadcast_in_dim3A_433, %select_n3A_429 : vector<16xi1>, vector<16xi32>
      %select_n3A_443 = arith.select %gt3A_438, %select_n3A_431, %select_n3A_442 : vector<16xi1>, vector<16xi32>
      %select_n3A_444 = arith.select %gt3A_438, %gather3A_437, %select_n3A_430 : vector<16xi1>, vector<16xf32>
      %select_n3A_445 = arith.select %gt3A_438, %broadcast_in_dim3A_433, %select_n3A_431 : vector<16xi1>, vector<16xi32>
      %broadcast_in_dim3A_446 = arith.constant 30 : i32
      %broadcast_in_dim3A_447 = vector.broadcast %broadcast_in_dim3A_446 : i32 to vector<16xi32>
      %add3A_448 = arith.constant 30 : i32
      %add3A_449 = vector.broadcast %add3A_448 : i32 to vector<16xi32>
      %add3A_450 = arith.addi %mul3A_21, %add3A_449 : vector<16xi32>
      %gather3A_451 = tpu.vector_load_idx %arg5[%add3A_450] : memref<65536xf32, #tpu.memory_space<vmem>>[vector<16xi32>], vector<16xf32>,
      %gt3A_452 = arith.cmpf ogt, %gather3A_451, %select_n3A_444 : vector<16xf32>
      %gt3A_453 = arith.cmpf ogt, %gather3A_451, %select_n3A_441 : vector<16xf32>
      %select_n3A_454 = arith.select %gt3A_453, %gather3A_451, %select_n3A_441 : vector<16xi1>, vector<16xf32>
      %select_n3A_455 = arith.select %gt3A_452, %select_n3A_444, %select_n3A_454 : vector<16xi1>, vector<16xf32>
      %select_n3A_456 = arith.select %gt3A_453, %broadcast_in_dim3A_447, %select_n3A_443 : vector<16xi1>, vector<16xi32>
      %select_n3A_457 = arith.select %gt3A_452, %select_n3A_445, %select_n3A_456 : vector<16xi1>, vector<16xi32>
      %select_n3A_458 = arith.select %gt3A_452, %gather3A_451, %select_n3A_444 : vector<16xi1>, vector<16xf32>
      %select_n3A_459 = arith.select %gt3A_452, %broadcast_in_dim3A_447, %select_n3A_445 : vector<16xi1>, vector<16xi32>
      %broadcast_in_dim3A_460 = arith.constant 31 : i32
      %broadcast_in_dim3A_461 = vector.broadcast %broadcast_in_dim3A_460 : i32 to vector<16xi32>
      %add3A_462 = arith.constant 31 : i32
      %add3A_463 = vector.broadcast %add3A_462 : i32 to vector<16xi32>
      %add3A_464 = arith.addi %mul3A_21, %add3A_463 : vector<16xi32>
      %gather3A_465 = tpu.vector_load_idx %arg5[%add3A_464] : memref<65536xf32, #tpu.memory_space<vmem>>[vector<16xi32>], vector<16xf32>,
      %gt3A_466 = arith.cmpf ogt, %gather3A_465, %select_n3A_458 : vector<16xf32>
      %gt3A_467 = arith.cmpf ogt, %gather3A_465, %select_n3A_455 : vector<16xf32>
      %select_n3A_468 = arith.select %gt3A_467, %gather3A_465, %select_n3A_455 : vector<16xi1>, vector<16xf32>
      %select_n3A_469 = arith.select %gt3A_466, %select_n3A_458, %select_n3A_468 : vector<16xi1>, vector<16xf32>
      %select_n3A_470 = arith.select %gt3A_467, %broadcast_in_dim3A_461, %select_n3A_457 : vector<16xi1>, vector<16xi32>
      %select_n3A_471 = arith.select %gt3A_466, %select_n3A_459, %select_n3A_470 : vector<16xi1>, vector<16xi32>
      %select_n3A_472 = arith.select %gt3A_466, %gather3A_465, %select_n3A_458 : vector<16xi1>, vector<16xf32>
      %select_n3A_473 = arith.select %gt3A_466, %broadcast_in_dim3A_461, %select_n3A_459 : vector<16xi1>, vector<16xi32>
      %broadcast_in_dim3A_474 = arith.constant 32 : i32
      %broadcast_in_dim3A_475 = vector.broadcast %broadcast_in_dim3A_474 : i32 to vector<16xi32>
      %add3A_476 = arith.constant 32 : i32
      %add3A_477 = vector.broadcast %add3A_476 : i32 to vector<16xi32>
      %add3A_478 = arith.addi %mul3A_21, %add3A_477 : vector<16xi32>
      %gather3A_479 = tpu.vector_load_idx %arg5[%add3A_478] : memref<65536xf32, #tpu.memory_space<vmem>>[vector<16xi32>], vector<16xf32>,
      %gt3A_480 = arith.cmpf ogt, %gather3A_479, %select_n3A_472 : vector<16xf32>
      %gt3A_481 = arith.cmpf ogt, %gather3A_479, %select_n3A_469 : vector<16xf32>
      %select_n3A_482 = arith.select %gt3A_481, %gather3A_479, %select_n3A_469 : vector<16xi1>, vector<16xf32>
      %select_n3A_483 = arith.select %gt3A_480, %select_n3A_472, %select_n3A_482 : vector<16xi1>, vector<16xf32>
      %select_n3A_484 = arith.select %gt3A_481, %broadcast_in_dim3A_475, %select_n3A_471 : vector<16xi1>, vector<16xi32>
      %select_n3A_485 = arith.select %gt3A_480, %select_n3A_473, %select_n3A_484 : vector<16xi1>, vector<16xi32>
      %select_n3A_486 = arith.select %gt3A_480, %gather3A_479, %select_n3A_472 : vector<16xi1>, vector<16xf32>
      %select_n3A_487 = arith.select %gt3A_480, %broadcast_in_dim3A_475, %select_n3A_473 : vector<16xi1>, vector<16xi32>
      %broadcast_in_dim3A_488 = arith.constant 33 : i32
      %broadcast_in_dim3A_489 = vector.broadcast %broadcast_in_dim3A_488 : i32 to vector<16xi32>
      %add3A_490 = arith.constant 33 : i32
      %add3A_491 = vector.broadcast %add3A_490 : i32 to vector<16xi32>
      %add3A_492 = arith.addi %mul3A_21, %add3A_491 : vector<16xi32>
      %gather3A_493 = tpu.vector_load_idx %arg5[%add3A_492] : memref<65536xf32, #tpu.memory_space<vmem>>[vector<16xi32>], vector<16xf32>,
      %gt3A_494 = arith.cmpf ogt, %gather3A_493, %select_n3A_486 : vector<16xf32>
      %gt3A_495 = arith.cmpf ogt, %gather3A_493, %select_n3A_483 : vector<16xf32>
      %select_n3A_496 = arith.select %gt3A_495, %gather3A_493, %select_n3A_483 : vector<16xi1>, vector<16xf32>
      %select_n3A_497 = arith.select %gt3A_494, %select_n3A_486, %select_n3A_496 : vector<16xi1>, vector<16xf32>
      %select_n3A_498 = arith.select %gt3A_495, %broadcast_in_dim3A_489, %select_n3A_485 : vector<16xi1>, vector<16xi32>
      %select_n3A_499 = arith.select %gt3A_494, %select_n3A_487, %select_n3A_498 : vector<16xi1>, vector<16xi32>
      %select_n3A_500 = arith.select %gt3A_494, %gather3A_493, %select_n3A_486 : vector<16xi1>, vector<16xf32>
      %select_n3A_501 = arith.select %gt3A_494, %broadcast_in_dim3A_489, %select_n3A_487 : vector<16xi1>, vector<16xi32>
      %broadcast_in_dim3A_502 = arith.constant 34 : i32
      %broadcast_in_dim3A_503 = vector.broadcast %broadcast_in_dim3A_502 : i32 to vector<16xi32>
      %add3A_504 = arith.constant 34 : i32
      %add3A_505 = vector.broadcast %add3A_504 : i32 to vector<16xi32>
      %add3A_506 = arith.addi %mul3A_21, %add3A_505 : vector<16xi32>
      %gather3A_507 = tpu.vector_load_idx %arg5[%add3A_506] : memref<65536xf32, #tpu.memory_space<vmem>>[vector<16xi32>], vector<16xf32>,
      %gt3A_508 = arith.cmpf ogt, %gather3A_507, %select_n3A_500 : vector<16xf32>
      %gt3A_509 = arith.cmpf ogt, %gather3A_507, %select_n3A_497 : vector<16xf32>
      %select_n3A_510 = arith.select %gt3A_509, %gather3A_507, %select_n3A_497 : vector<16xi1>, vector<16xf32>
      %select_n3A_511 = arith.select %gt3A_508, %select_n3A_500, %select_n3A_510 : vector<16xi1>, vector<16xf32>
      %select_n3A_512 = arith.select %gt3A_509, %broadcast_in_dim3A_503, %select_n3A_499 : vector<16xi1>, vector<16xi32>
      %select_n3A_513 = arith.select %gt3A_508, %select_n3A_501, %select_n3A_512 : vector<16xi1>, vector<16xi32>
      %select_n3A_514 = arith.select %gt3A_508, %gather3A_507, %select_n3A_500 : vector<16xi1>, vector<16xf32>
      %select_n3A_515 = arith.select %gt3A_508, %broadcast_in_dim3A_503, %select_n3A_501 : vector<16xi1>, vector<16xi32>
      %broadcast_in_dim3A_516 = arith.constant 35 : i32
      %broadcast_in_dim3A_517 = vector.broadcast %broadcast_in_dim3A_516 : i32 to vector<16xi32>
      %add3A_518 = arith.constant 35 : i32
      %add3A_519 = vector.broadcast %add3A_518 : i32 to vector<16xi32>
      %add3A_520 = arith.addi %mul3A_21, %add3A_519 : vector<16xi32>
      %gather3A_521 = tpu.vector_load_idx %arg5[%add3A_520] : memref<65536xf32, #tpu.memory_space<vmem>>[vector<16xi32>], vector<16xf32>,
      %gt3A_522 = arith.cmpf ogt, %gather3A_521, %select_n3A_514 : vector<16xf32>
      %gt3A_523 = arith.cmpf ogt, %gather3A_521, %select_n3A_511 : vector<16xf32>
      %select_n3A_524 = arith.select %gt3A_523, %gather3A_521, %select_n3A_511 : vector<16xi1>, vector<16xf32>
      %select_n3A_525 = arith.select %gt3A_522, %select_n3A_514, %select_n3A_524 : vector<16xi1>, vector<16xf32>
      %select_n3A_526 = arith.select %gt3A_523, %broadcast_in_dim3A_517, %select_n3A_513 : vector<16xi1>, vector<16xi32>
      %select_n3A_527 = arith.select %gt3A_522, %select_n3A_515, %select_n3A_526 : vector<16xi1>, vector<16xi32>
      %select_n3A_528 = arith.select %gt3A_522, %gather3A_521, %select_n3A_514 : vector<16xi1>, vector<16xf32>
      %select_n3A_529 = arith.select %gt3A_522, %broadcast_in_dim3A_517, %select_n3A_515 : vector<16xi1>, vector<16xi32>
      %broadcast_in_dim3A_530 = arith.constant 36 : i32
      %broadcast_in_dim3A_531 = vector.broadcast %broadcast_in_dim3A_530 : i32 to vector<16xi32>
      %add3A_532 = arith.constant 36 : i32
      %add3A_533 = vector.broadcast %add3A_532 : i32 to vector<16xi32>
      %add3A_534 = arith.addi %mul3A_21, %add3A_533 : vector<16xi32>
      %gather3A_535 = tpu.vector_load_idx %arg5[%add3A_534] : memref<65536xf32, #tpu.memory_space<vmem>>[vector<16xi32>], vector<16xf32>,
      %gt3A_536 = arith.cmpf ogt, %gather3A_535, %select_n3A_528 : vector<16xf32>
      %gt3A_537 = arith.cmpf ogt, %gather3A_535, %select_n3A_525 : vector<16xf32>
      %select_n3A_538 = arith.select %gt3A_537, %gather3A_535, %select_n3A_525 : vector<16xi1>, vector<16xf32>
      %select_n3A_539 = arith.select %gt3A_536, %select_n3A_528, %select_n3A_538 : vector<16xi1>, vector<16xf32>
      %select_n3A_540 = arith.select %gt3A_537, %broadcast_in_dim3A_531, %select_n3A_527 : vector<16xi1>, vector<16xi32>
      %select_n3A_541 = arith.select %gt3A_536, %select_n3A_529, %select_n3A_540 : vector<16xi1>, vector<16xi32>
      %select_n3A_542 = arith.select %gt3A_536, %gather3A_535, %select_n3A_528 : vector<16xi1>, vector<16xf32>
      %select_n3A_543 = arith.select %gt3A_536, %broadcast_in_dim3A_531, %select_n3A_529 : vector<16xi1>, vector<16xi32>
      %broadcast_in_dim3A_544 = arith.constant 37 : i32
      %broadcast_in_dim3A_545 = vector.broadcast %broadcast_in_dim3A_544 : i32 to vector<16xi32>
      %add3A_546 = arith.constant 37 : i32
      %add3A_547 = vector.broadcast %add3A_546 : i32 to vector<16xi32>
      %add3A_548 = arith.addi %mul3A_21, %add3A_547 : vector<16xi32>
      %gather3A_549 = tpu.vector_load_idx %arg5[%add3A_548] : memref<65536xf32, #tpu.memory_space<vmem>>[vector<16xi32>], vector<16xf32>,
      %gt3A_550 = arith.cmpf ogt, %gather3A_549, %select_n3A_542 : vector<16xf32>
      %gt3A_551 = arith.cmpf ogt, %gather3A_549, %select_n3A_539 : vector<16xf32>
      %select_n3A_552 = arith.select %gt3A_551, %gather3A_549, %select_n3A_539 : vector<16xi1>, vector<16xf32>
      %select_n3A_553 = arith.select %gt3A_550, %select_n3A_542, %select_n3A_552 : vector<16xi1>, vector<16xf32>
      %select_n3A_554 = arith.select %gt3A_551, %broadcast_in_dim3A_545, %select_n3A_541 : vector<16xi1>, vector<16xi32>
      %select_n3A_555 = arith.select %gt3A_550, %select_n3A_543, %select_n3A_554 : vector<16xi1>, vector<16xi32>
      %select_n3A_556 = arith.select %gt3A_550, %gather3A_549, %select_n3A_542 : vector<16xi1>, vector<16xf32>
      %select_n3A_557 = arith.select %gt3A_550, %broadcast_in_dim3A_545, %select_n3A_543 : vector<16xi1>, vector<16xi32>
      %broadcast_in_dim3A_558 = arith.constant 38 : i32
      %broadcast_in_dim3A_559 = vector.broadcast %broadcast_in_dim3A_558 : i32 to vector<16xi32>
      %add3A_560 = arith.constant 38 : i32
      %add3A_561 = vector.broadcast %add3A_560 : i32 to vector<16xi32>
      %add3A_562 = arith.addi %mul3A_21, %add3A_561 : vector<16xi32>
      %gather3A_563 = tpu.vector_load_idx %arg5[%add3A_562] : memref<65536xf32, #tpu.memory_space<vmem>>[vector<16xi32>], vector<16xf32>,
      %gt3A_564 = arith.cmpf ogt, %gather3A_563, %select_n3A_556 : vector<16xf32>
      %gt3A_565 = arith.cmpf ogt, %gather3A_563, %select_n3A_553 : vector<16xf32>
      %select_n3A_566 = arith.select %gt3A_565, %gather3A_563, %select_n3A_553 : vector<16xi1>, vector<16xf32>
      %select_n3A_567 = arith.select %gt3A_564, %select_n3A_556, %select_n3A_566 : vector<16xi1>, vector<16xf32>
      %select_n3A_568 = arith.select %gt3A_565, %broadcast_in_dim3A_559, %select_n3A_555 : vector<16xi1>, vector<16xi32>
      %select_n3A_569 = arith.select %gt3A_564, %select_n3A_557, %select_n3A_568 : vector<16xi1>, vector<16xi32>
      %select_n3A_570 = arith.select %gt3A_564, %gather3A_563, %select_n3A_556 : vector<16xi1>, vector<16xf32>
      %select_n3A_571 = arith.select %gt3A_564, %broadcast_in_dim3A_559, %select_n3A_557 : vector<16xi1>, vector<16xi32>
      %broadcast_in_dim3A_572 = arith.constant 39 : i32
      %broadcast_in_dim3A_573 = vector.broadcast %broadcast_in_dim3A_572 : i32 to vector<16xi32>
      %add3A_574 = arith.constant 39 : i32
      %add3A_575 = vector.broadcast %add3A_574 : i32 to vector<16xi32>
      %add3A_576 = arith.addi %mul3A_21, %add3A_575 : vector<16xi32>
      %gather3A_577 = tpu.vector_load_idx %arg5[%add3A_576] : memref<65536xf32, #tpu.memory_space<vmem>>[vector<16xi32>], vector<16xf32>,
      %gt3A_578 = arith.cmpf ogt, %gather3A_577, %select_n3A_570 : vector<16xf32>
      %gt3A_579 = arith.cmpf ogt, %gather3A_577, %select_n3A_567 : vector<16xf32>
      %select_n3A_580 = arith.select %gt3A_579, %gather3A_577, %select_n3A_567 : vector<16xi1>, vector<16xf32>
      %select_n3A_581 = arith.select %gt3A_578, %select_n3A_570, %select_n3A_580 : vector<16xi1>, vector<16xf32>
      %select_n3A_582 = arith.select %gt3A_579, %broadcast_in_dim3A_573, %select_n3A_569 : vector<16xi1>, vector<16xi32>
      %select_n3A_583 = arith.select %gt3A_578, %select_n3A_571, %select_n3A_582 : vector<16xi1>, vector<16xi32>
      %select_n3A_584 = arith.select %gt3A_578, %gather3A_577, %select_n3A_570 : vector<16xi1>, vector<16xf32>
      %select_n3A_585 = arith.select %gt3A_578, %broadcast_in_dim3A_573, %select_n3A_571 : vector<16xi1>, vector<16xi32>
      %broadcast_in_dim3A_586 = arith.constant 40 : i32
      %broadcast_in_dim3A_587 = vector.broadcast %broadcast_in_dim3A_586 : i32 to vector<16xi32>
      %add3A_588 = arith.constant 40 : i32
      %add3A_589 = vector.broadcast %add3A_588 : i32 to vector<16xi32>
      %add3A_590 = arith.addi %mul3A_21, %add3A_589 : vector<16xi32>
      %gather3A_591 = tpu.vector_load_idx %arg5[%add3A_590] : memref<65536xf32, #tpu.memory_space<vmem>>[vector<16xi32>], vector<16xf32>,
      %gt3A_592 = arith.cmpf ogt, %gather3A_591, %select_n3A_584 : vector<16xf32>
      %gt3A_593 = arith.cmpf ogt, %gather3A_591, %select_n3A_581 : vector<16xf32>
      %select_n3A_594 = arith.select %gt3A_593, %gather3A_591, %select_n3A_581 : vector<16xi1>, vector<16xf32>
      %select_n3A_595 = arith.select %gt3A_592, %select_n3A_584, %select_n3A_594 : vector<16xi1>, vector<16xf32>
      %select_n3A_596 = arith.select %gt3A_593, %broadcast_in_dim3A_587, %select_n3A_583 : vector<16xi1>, vector<16xi32>
      %select_n3A_597 = arith.select %gt3A_592, %select_n3A_585, %select_n3A_596 : vector<16xi1>, vector<16xi32>
      %select_n3A_598 = arith.select %gt3A_592, %gather3A_591, %select_n3A_584 : vector<16xi1>, vector<16xf32>
      %select_n3A_599 = arith.select %gt3A_592, %broadcast_in_dim3A_587, %select_n3A_585 : vector<16xi1>, vector<16xi32>
      %broadcast_in_dim3A_600 = arith.constant 41 : i32
      %broadcast_in_dim3A_601 = vector.broadcast %broadcast_in_dim3A_600 : i32 to vector<16xi32>
      %add3A_602 = arith.constant 41 : i32
      %add3A_603 = vector.broadcast %add3A_602 : i32 to vector<16xi32>
      %add3A_604 = arith.addi %mul3A_21, %add3A_603 : vector<16xi32>
      %gather3A_605 = tpu.vector_load_idx %arg5[%add3A_604] : memref<65536xf32, #tpu.memory_space<vmem>>[vector<16xi32>], vector<16xf32>,
      %gt3A_606 = arith.cmpf ogt, %gather3A_605, %select_n3A_598 : vector<16xf32>
      %gt3A_607 = arith.cmpf ogt, %gather3A_605, %select_n3A_595 : vector<16xf32>
      %select_n3A_608 = arith.select %gt3A_607, %gather3A_605, %select_n3A_595 : vector<16xi1>, vector<16xf32>
      %select_n3A_609 = arith.select %gt3A_606, %select_n3A_598, %select_n3A_608 : vector<16xi1>, vector<16xf32>
      %select_n3A_610 = arith.select %gt3A_607, %broadcast_in_dim3A_601, %select_n3A_597 : vector<16xi1>, vector<16xi32>
      %select_n3A_611 = arith.select %gt3A_606, %select_n3A_599, %select_n3A_610 : vector<16xi1>, vector<16xi32>
      %select_n3A_612 = arith.select %gt3A_606, %gather3A_605, %select_n3A_598 : vector<16xi1>, vector<16xf32>
      %select_n3A_613 = arith.select %gt3A_606, %broadcast_in_dim3A_601, %select_n3A_599 : vector<16xi1>, vector<16xi32>
      %broadcast_in_dim3A_614 = arith.constant 42 : i32
      %broadcast_in_dim3A_615 = vector.broadcast %broadcast_in_dim3A_614 : i32 to vector<16xi32>
      %add3A_616 = arith.constant 42 : i32
      %add3A_617 = vector.broadcast %add3A_616 : i32 to vector<16xi32>
      %add3A_618 = arith.addi %mul3A_21, %add3A_617 : vector<16xi32>
      %gather3A_619 = tpu.vector_load_idx %arg5[%add3A_618] : memref<65536xf32, #tpu.memory_space<vmem>>[vector<16xi32>], vector<16xf32>,
      %gt3A_620 = arith.cmpf ogt, %gather3A_619, %select_n3A_612 : vector<16xf32>
      %gt3A_621 = arith.cmpf ogt, %gather3A_619, %select_n3A_609 : vector<16xf32>
      %select_n3A_622 = arith.select %gt3A_621, %gather3A_619, %select_n3A_609 : vector<16xi1>, vector<16xf32>
      %select_n3A_623 = arith.select %gt3A_620, %select_n3A_612, %select_n3A_622 : vector<16xi1>, vector<16xf32>
      %select_n3A_624 = arith.select %gt3A_621, %broadcast_in_dim3A_615, %select_n3A_611 : vector<16xi1>, vector<16xi32>
      %select_n3A_625 = arith.select %gt3A_620, %select_n3A_613, %select_n3A_624 : vector<16xi1>, vector<16xi32>
      %select_n3A_626 = arith.select %gt3A_620, %gather3A_619, %select_n3A_612 : vector<16xi1>, vector<16xf32>
      %select_n3A_627 = arith.select %gt3A_620, %broadcast_in_dim3A_615, %select_n3A_613 : vector<16xi1>, vector<16xi32>
      %broadcast_in_dim3A_628 = arith.constant 43 : i32
      %broadcast_in_dim3A_629 = vector.broadcast %broadcast_in_dim3A_628 : i32 to vector<16xi32>
      %add3A_630 = arith.constant 43 : i32
      %add3A_631 = vector.broadcast %add3A_630 : i32 to vector<16xi32>
      %add3A_632 = arith.addi %mul3A_21, %add3A_631 : vector<16xi32>
      %gather3A_633 = tpu.vector_load_idx %arg5[%add3A_632] : memref<65536xf32, #tpu.memory_space<vmem>>[vector<16xi32>], vector<16xf32>,
      %gt3A_634 = arith.cmpf ogt, %gather3A_633, %select_n3A_626 : vector<16xf32>
      %gt3A_635 = arith.cmpf ogt, %gather3A_633, %select_n3A_623 : vector<16xf32>
      %select_n3A_636 = arith.select %gt3A_635, %gather3A_633, %select_n3A_623 : vector<16xi1>, vector<16xf32>
      %select_n3A_637 = arith.select %gt3A_634, %select_n3A_626, %select_n3A_636 : vector<16xi1>, vector<16xf32>
      %select_n3A_638 = arith.select %gt3A_635, %broadcast_in_dim3A_629, %select_n3A_625 : vector<16xi1>, vector<16xi32>
      %select_n3A_639 = arith.select %gt3A_634, %select_n3A_627, %select_n3A_638 : vector<16xi1>, vector<16xi32>
      %select_n3A_640 = arith.select %gt3A_634, %gather3A_633, %select_n3A_626 : vector<16xi1>, vector<16xf32>
      %select_n3A_641 = arith.select %gt3A_634, %broadcast_in_dim3A_629, %select_n3A_627 : vector<16xi1>, vector<16xi32>
      %broadcast_in_dim3A_642 = arith.constant 44 : i32
      %broadcast_in_dim3A_643 = vector.broadcast %broadcast_in_dim3A_642 : i32 to vector<16xi32>
      %add3A_644 = arith.constant 44 : i32
      %add3A_645 = vector.broadcast %add3A_644 : i32 to vector<16xi32>
      %add3A_646 = arith.addi %mul3A_21, %add3A_645 : vector<16xi32>
      %gather3A_647 = tpu.vector_load_idx %arg5[%add3A_646] : memref<65536xf32, #tpu.memory_space<vmem>>[vector<16xi32>], vector<16xf32>,
      %gt3A_648 = arith.cmpf ogt, %gather3A_647, %select_n3A_640 : vector<16xf32>
      %gt3A_649 = arith.cmpf ogt, %gather3A_647, %select_n3A_637 : vector<16xf32>
      %select_n3A_650 = arith.select %gt3A_649, %gather3A_647, %select_n3A_637 : vector<16xi1>, vector<16xf32>
      %select_n3A_651 = arith.select %gt3A_648, %select_n3A_640, %select_n3A_650 : vector<16xi1>, vector<16xf32>
      %select_n3A_652 = arith.select %gt3A_649, %broadcast_in_dim3A_643, %select_n3A_639 : vector<16xi1>, vector<16xi32>
      %select_n3A_653 = arith.select %gt3A_648, %select_n3A_641, %select_n3A_652 : vector<16xi1>, vector<16xi32>
      %select_n3A_654 = arith.select %gt3A_648, %gather3A_647, %select_n3A_640 : vector<16xi1>, vector<16xf32>
      %select_n3A_655 = arith.select %gt3A_648, %broadcast_in_dim3A_643, %select_n3A_641 : vector<16xi1>, vector<16xi32>
      %broadcast_in_dim3A_656 = arith.constant 45 : i32
      %broadcast_in_dim3A_657 = vector.broadcast %broadcast_in_dim3A_656 : i32 to vector<16xi32>
      %add3A_658 = arith.constant 45 : i32
      %add3A_659 = vector.broadcast %add3A_658 : i32 to vector<16xi32>
      %add3A_660 = arith.addi %mul3A_21, %add3A_659 : vector<16xi32>
      %gather3A_661 = tpu.vector_load_idx %arg5[%add3A_660] : memref<65536xf32, #tpu.memory_space<vmem>>[vector<16xi32>], vector<16xf32>,
      %gt3A_662 = arith.cmpf ogt, %gather3A_661, %select_n3A_654 : vector<16xf32>
      %gt3A_663 = arith.cmpf ogt, %gather3A_661, %select_n3A_651 : vector<16xf32>
      %select_n3A_664 = arith.select %gt3A_663, %gather3A_661, %select_n3A_651 : vector<16xi1>, vector<16xf32>
      %select_n3A_665 = arith.select %gt3A_662, %select_n3A_654, %select_n3A_664 : vector<16xi1>, vector<16xf32>
      %select_n3A_666 = arith.select %gt3A_663, %broadcast_in_dim3A_657, %select_n3A_653 : vector<16xi1>, vector<16xi32>
      %select_n3A_667 = arith.select %gt3A_662, %select_n3A_655, %select_n3A_666 : vector<16xi1>, vector<16xi32>
      %select_n3A_668 = arith.select %gt3A_662, %gather3A_661, %select_n3A_654 : vector<16xi1>, vector<16xf32>
      %select_n3A_669 = arith.select %gt3A_662, %broadcast_in_dim3A_657, %select_n3A_655 : vector<16xi1>, vector<16xi32>
      %broadcast_in_dim3A_670 = arith.constant 46 : i32
      %broadcast_in_dim3A_671 = vector.broadcast %broadcast_in_dim3A_670 : i32 to vector<16xi32>
      %add3A_672 = arith.constant 46 : i32
      %add3A_673 = vector.broadcast %add3A_672 : i32 to vector<16xi32>
      %add3A_674 = arith.addi %mul3A_21, %add3A_673 : vector<16xi32>
      %gather3A_675 = tpu.vector_load_idx %arg5[%add3A_674] : memref<65536xf32, #tpu.memory_space<vmem>>[vector<16xi32>], vector<16xf32>,
      %gt3A_676 = arith.cmpf ogt, %gather3A_675, %select_n3A_668 : vector<16xf32>
      %gt3A_677 = arith.cmpf ogt, %gather3A_675, %select_n3A_665 : vector<16xf32>
      %select_n3A_678 = arith.select %gt3A_677, %gather3A_675, %select_n3A_665 : vector<16xi1>, vector<16xf32>
      %select_n3A_679 = arith.select %gt3A_676, %select_n3A_668, %select_n3A_678 : vector<16xi1>, vector<16xf32>
      %select_n3A_680 = arith.select %gt3A_677, %broadcast_in_dim3A_671, %select_n3A_667 : vector<16xi1>, vector<16xi32>
      %select_n3A_681 = arith.select %gt3A_676, %select_n3A_669, %select_n3A_680 : vector<16xi1>, vector<16xi32>
      %select_n3A_682 = arith.select %gt3A_676, %gather3A_675, %select_n3A_668 : vector<16xi1>, vector<16xf32>
      %select_n3A_683 = arith.select %gt3A_676, %broadcast_in_dim3A_671, %select_n3A_669 : vector<16xi1>, vector<16xi32>
      %broadcast_in_dim3A_684 = arith.constant 47 : i32
      %broadcast_in_dim3A_685 = vector.broadcast %broadcast_in_dim3A_684 : i32 to vector<16xi32>
      %add3A_686 = arith.constant 47 : i32
      %add3A_687 = vector.broadcast %add3A_686 : i32 to vector<16xi32>
      %add3A_688 = arith.addi %mul3A_21, %add3A_687 : vector<16xi32>
      %gather3A_689 = tpu.vector_load_idx %arg5[%add3A_688] : memref<65536xf32, #tpu.memory_space<vmem>>[vector<16xi32>], vector<16xf32>,
      %gt3A_690 = arith.cmpf ogt, %gather3A_689, %select_n3A_682 : vector<16xf32>
      %gt3A_691 = arith.cmpf ogt, %gather3A_689, %select_n3A_679 : vector<16xf32>
      %select_n3A_692 = arith.select %gt3A_691, %gather3A_689, %select_n3A_679 : vector<16xi1>, vector<16xf32>
      %select_n3A_693 = arith.select %gt3A_690, %select_n3A_682, %select_n3A_692 : vector<16xi1>, vector<16xf32>
      %select_n3A_694 = arith.select %gt3A_691, %broadcast_in_dim3A_685, %select_n3A_681 : vector<16xi1>, vector<16xi32>
      %select_n3A_695 = arith.select %gt3A_690, %select_n3A_683, %select_n3A_694 : vector<16xi1>, vector<16xi32>
      %select_n3A_696 = arith.select %gt3A_690, %gather3A_689, %select_n3A_682 : vector<16xi1>, vector<16xf32>
      %select_n3A_697 = arith.select %gt3A_690, %broadcast_in_dim3A_685, %select_n3A_683 : vector<16xi1>, vector<16xi32>
      %broadcast_in_dim3A_698 = arith.constant 48 : i32
      %broadcast_in_dim3A_699 = vector.broadcast %broadcast_in_dim3A_698 : i32 to vector<16xi32>
      %add3A_700 = arith.constant 48 : i32
      %add3A_701 = vector.broadcast %add3A_700 : i32 to vector<16xi32>
      %add3A_702 = arith.addi %mul3A_21, %add3A_701 : vector<16xi32>
      %gather3A_703 = tpu.vector_load_idx %arg5[%add3A_702] : memref<65536xf32, #tpu.memory_space<vmem>>[vector<16xi32>], vector<16xf32>,
      %gt3A_704 = arith.cmpf ogt, %gather3A_703, %select_n3A_696 : vector<16xf32>
      %gt3A_705 = arith.cmpf ogt, %gather3A_703, %select_n3A_693 : vector<16xf32>
      %select_n3A_706 = arith.select %gt3A_705, %gather3A_703, %select_n3A_693 : vector<16xi1>, vector<16xf32>
      %select_n3A_707 = arith.select %gt3A_704, %select_n3A_696, %select_n3A_706 : vector<16xi1>, vector<16xf32>
      %select_n3A_708 = arith.select %gt3A_705, %broadcast_in_dim3A_699, %select_n3A_695 : vector<16xi1>, vector<16xi32>
      %select_n3A_709 = arith.select %gt3A_704, %select_n3A_697, %select_n3A_708 : vector<16xi1>, vector<16xi32>
      %select_n3A_710 = arith.select %gt3A_704, %gather3A_703, %select_n3A_696 : vector<16xi1>, vector<16xf32>
      %select_n3A_711 = arith.select %gt3A_704, %broadcast_in_dim3A_699, %select_n3A_697 : vector<16xi1>, vector<16xi32>
      %broadcast_in_dim3A_712 = arith.constant 49 : i32
      %broadcast_in_dim3A_713 = vector.broadcast %broadcast_in_dim3A_712 : i32 to vector<16xi32>
      %add3A_714 = arith.constant 49 : i32
      %add3A_715 = vector.broadcast %add3A_714 : i32 to vector<16xi32>
      %add3A_716 = arith.addi %mul3A_21, %add3A_715 : vector<16xi32>
      %gather3A_717 = tpu.vector_load_idx %arg5[%add3A_716] : memref<65536xf32, #tpu.memory_space<vmem>>[vector<16xi32>], vector<16xf32>,
      %gt3A_718 = arith.cmpf ogt, %gather3A_717, %select_n3A_710 : vector<16xf32>
      %gt3A_719 = arith.cmpf ogt, %gather3A_717, %select_n3A_707 : vector<16xf32>
      %select_n3A_720 = arith.select %gt3A_719, %gather3A_717, %select_n3A_707 : vector<16xi1>, vector<16xf32>
      %select_n3A_721 = arith.select %gt3A_718, %select_n3A_710, %select_n3A_720 : vector<16xi1>, vector<16xf32>
      %select_n3A_722 = arith.select %gt3A_719, %broadcast_in_dim3A_713, %select_n3A_709 : vector<16xi1>, vector<16xi32>
      %select_n3A_723 = arith.select %gt3A_718, %select_n3A_711, %select_n3A_722 : vector<16xi1>, vector<16xi32>
      %select_n3A_724 = arith.select %gt3A_718, %gather3A_717, %select_n3A_710 : vector<16xi1>, vector<16xf32>
      %select_n3A_725 = arith.select %gt3A_718, %broadcast_in_dim3A_713, %select_n3A_711 : vector<16xi1>, vector<16xi32>
      %broadcast_in_dim3A_726 = arith.constant 50 : i32
      %broadcast_in_dim3A_727 = vector.broadcast %broadcast_in_dim3A_726 : i32 to vector<16xi32>
      %add3A_728 = arith.constant 50 : i32
      %add3A_729 = vector.broadcast %add3A_728 : i32 to vector<16xi32>
      %add3A_730 = arith.addi %mul3A_21, %add3A_729 : vector<16xi32>
      %gather3A_731 = tpu.vector_load_idx %arg5[%add3A_730] : memref<65536xf32, #tpu.memory_space<vmem>>[vector<16xi32>], vector<16xf32>,
      %gt3A_732 = arith.cmpf ogt, %gather3A_731, %select_n3A_724 : vector<16xf32>
      %gt3A_733 = arith.cmpf ogt, %gather3A_731, %select_n3A_721 : vector<16xf32>
      %select_n3A_734 = arith.select %gt3A_733, %gather3A_731, %select_n3A_721 : vector<16xi1>, vector<16xf32>
      %select_n3A_735 = arith.select %gt3A_732, %select_n3A_724, %select_n3A_734 : vector<16xi1>, vector<16xf32>
      %select_n3A_736 = arith.select %gt3A_733, %broadcast_in_dim3A_727, %select_n3A_723 : vector<16xi1>, vector<16xi32>
      %select_n3A_737 = arith.select %gt3A_732, %select_n3A_725, %select_n3A_736 : vector<16xi1>, vector<16xi32>
      %select_n3A_738 = arith.select %gt3A_732, %gather3A_731, %select_n3A_724 : vector<16xi1>, vector<16xf32>
      %select_n3A_739 = arith.select %gt3A_732, %broadcast_in_dim3A_727, %select_n3A_725 : vector<16xi1>, vector<16xi32>
      %broadcast_in_dim3A_740 = arith.constant 51 : i32
      %broadcast_in_dim3A_741 = vector.broadcast %broadcast_in_dim3A_740 : i32 to vector<16xi32>
      %add3A_742 = arith.constant 51 : i32
      %add3A_743 = vector.broadcast %add3A_742 : i32 to vector<16xi32>
      %add3A_744 = arith.addi %mul3A_21, %add3A_743 : vector<16xi32>
      %gather3A_745 = tpu.vector_load_idx %arg5[%add3A_744] : memref<65536xf32, #tpu.memory_space<vmem>>[vector<16xi32>], vector<16xf32>,
      %gt3A_746 = arith.cmpf ogt, %gather3A_745, %select_n3A_738 : vector<16xf32>
      %gt3A_747 = arith.cmpf ogt, %gather3A_745, %select_n3A_735 : vector<16xf32>
      %select_n3A_748 = arith.select %gt3A_747, %gather3A_745, %select_n3A_735 : vector<16xi1>, vector<16xf32>
      %select_n3A_749 = arith.select %gt3A_746, %select_n3A_738, %select_n3A_748 : vector<16xi1>, vector<16xf32>
      %select_n3A_750 = arith.select %gt3A_747, %broadcast_in_dim3A_741, %select_n3A_737 : vector<16xi1>, vector<16xi32>
      %select_n3A_751 = arith.select %gt3A_746, %select_n3A_739, %select_n3A_750 : vector<16xi1>, vector<16xi32>
      %select_n3A_752 = arith.select %gt3A_746, %gather3A_745, %select_n3A_738 : vector<16xi1>, vector<16xf32>
      %select_n3A_753 = arith.select %gt3A_746, %broadcast_in_dim3A_741, %select_n3A_739 : vector<16xi1>, vector<16xi32>
      %broadcast_in_dim3A_754 = arith.constant 52 : i32
      %broadcast_in_dim3A_755 = vector.broadcast %broadcast_in_dim3A_754 : i32 to vector<16xi32>
      %add3A_756 = arith.constant 52 : i32
      %add3A_757 = vector.broadcast %add3A_756 : i32 to vector<16xi32>
      %add3A_758 = arith.addi %mul3A_21, %add3A_757 : vector<16xi32>
      %gather3A_759 = tpu.vector_load_idx %arg5[%add3A_758] : memref<65536xf32, #tpu.memory_space<vmem>>[vector<16xi32>], vector<16xf32>,
      %gt3A_760 = arith.cmpf ogt, %gather3A_759, %select_n3A_752 : vector<16xf32>
      %gt3A_761 = arith.cmpf ogt, %gather3A_759, %select_n3A_749 : vector<16xf32>
      %select_n3A_762 = arith.select %gt3A_761, %gather3A_759, %select_n3A_749 : vector<16xi1>, vector<16xf32>
      %select_n3A_763 = arith.select %gt3A_760, %select_n3A_752, %select_n3A_762 : vector<16xi1>, vector<16xf32>
      %select_n3A_764 = arith.select %gt3A_761, %broadcast_in_dim3A_755, %select_n3A_751 : vector<16xi1>, vector<16xi32>
      %select_n3A_765 = arith.select %gt3A_760, %select_n3A_753, %select_n3A_764 : vector<16xi1>, vector<16xi32>
      %select_n3A_766 = arith.select %gt3A_760, %gather3A_759, %select_n3A_752 : vector<16xi1>, vector<16xf32>
      %select_n3A_767 = arith.select %gt3A_760, %broadcast_in_dim3A_755, %select_n3A_753 : vector<16xi1>, vector<16xi32>
      %broadcast_in_dim3A_768 = arith.constant 53 : i32
      %broadcast_in_dim3A_769 = vector.broadcast %broadcast_in_dim3A_768 : i32 to vector<16xi32>
      %add3A_770 = arith.constant 53 : i32
      %add3A_771 = vector.broadcast %add3A_770 : i32 to vector<16xi32>
      %add3A_772 = arith.addi %mul3A_21, %add3A_771 : vector<16xi32>
      %gather3A_773 = tpu.vector_load_idx %arg5[%add3A_772] : memref<65536xf32, #tpu.memory_space<vmem>>[vector<16xi32>], vector<16xf32>,
      %gt3A_774 = arith.cmpf ogt, %gather3A_773, %select_n3A_766 : vector<16xf32>
      %gt3A_775 = arith.cmpf ogt, %gather3A_773, %select_n3A_763 : vector<16xf32>
      %select_n3A_776 = arith.select %gt3A_775, %gather3A_773, %select_n3A_763 : vector<16xi1>, vector<16xf32>
      %select_n3A_777 = arith.select %gt3A_774, %select_n3A_766, %select_n3A_776 : vector<16xi1>, vector<16xf32>
      %select_n3A_778 = arith.select %gt3A_775, %broadcast_in_dim3A_769, %select_n3A_765 : vector<16xi1>, vector<16xi32>
      %select_n3A_779 = arith.select %gt3A_774, %select_n3A_767, %select_n3A_778 : vector<16xi1>, vector<16xi32>
      %select_n3A_780 = arith.select %gt3A_774, %gather3A_773, %select_n3A_766 : vector<16xi1>, vector<16xf32>
      %select_n3A_781 = arith.select %gt3A_774, %broadcast_in_dim3A_769, %select_n3A_767 : vector<16xi1>, vector<16xi32>
      %broadcast_in_dim3A_782 = arith.constant 54 : i32
      %broadcast_in_dim3A_783 = vector.broadcast %broadcast_in_dim3A_782 : i32 to vector<16xi32>
      %add3A_784 = arith.constant 54 : i32
      %add3A_785 = vector.broadcast %add3A_784 : i32 to vector<16xi32>
      %add3A_786 = arith.addi %mul3A_21, %add3A_785 : vector<16xi32>
      %gather3A_787 = tpu.vector_load_idx %arg5[%add3A_786] : memref<65536xf32, #tpu.memory_space<vmem>>[vector<16xi32>], vector<16xf32>,
      %gt3A_788 = arith.cmpf ogt, %gather3A_787, %select_n3A_780 : vector<16xf32>
      %gt3A_789 = arith.cmpf ogt, %gather3A_787, %select_n3A_777 : vector<16xf32>
      %select_n3A_790 = arith.select %gt3A_789, %gather3A_787, %select_n3A_777 : vector<16xi1>, vector<16xf32>
      %select_n3A_791 = arith.select %gt3A_788, %select_n3A_780, %select_n3A_790 : vector<16xi1>, vector<16xf32>
      %select_n3A_792 = arith.select %gt3A_789, %broadcast_in_dim3A_783, %select_n3A_779 : vector<16xi1>, vector<16xi32>
      %select_n3A_793 = arith.select %gt3A_788, %select_n3A_781, %select_n3A_792 : vector<16xi1>, vector<16xi32>
      %select_n3A_794 = arith.select %gt3A_788, %gather3A_787, %select_n3A_780 : vector<16xi1>, vector<16xf32>
      %select_n3A_795 = arith.select %gt3A_788, %broadcast_in_dim3A_783, %select_n3A_781 : vector<16xi1>, vector<16xi32>
      %broadcast_in_dim3A_796 = arith.constant 55 : i32
      %broadcast_in_dim3A_797 = vector.broadcast %broadcast_in_dim3A_796 : i32 to vector<16xi32>
      %add3A_798 = arith.constant 55 : i32
      %add3A_799 = vector.broadcast %add3A_798 : i32 to vector<16xi32>
      %add3A_800 = arith.addi %mul3A_21, %add3A_799 : vector<16xi32>
      %gather3A_801 = tpu.vector_load_idx %arg5[%add3A_800] : memref<65536xf32, #tpu.memory_space<vmem>>[vector<16xi32>], vector<16xf32>,
      %gt3A_802 = arith.cmpf ogt, %gather3A_801, %select_n3A_794 : vector<16xf32>
      %gt3A_803 = arith.cmpf ogt, %gather3A_801, %select_n3A_791 : vector<16xf32>
      %select_n3A_804 = arith.select %gt3A_803, %gather3A_801, %select_n3A_791 : vector<16xi1>, vector<16xf32>
      %select_n3A_805 = arith.select %gt3A_802, %select_n3A_794, %select_n3A_804 : vector<16xi1>, vector<16xf32>
      %select_n3A_806 = arith.select %gt3A_803, %broadcast_in_dim3A_797, %select_n3A_793 : vector<16xi1>, vector<16xi32>
      %select_n3A_807 = arith.select %gt3A_802, %select_n3A_795, %select_n3A_806 : vector<16xi1>, vector<16xi32>
      %select_n3A_808 = arith.select %gt3A_802, %gather3A_801, %select_n3A_794 : vector<16xi1>, vector<16xf32>
      %select_n3A_809 = arith.select %gt3A_802, %broadcast_in_dim3A_797, %select_n3A_795 : vector<16xi1>, vector<16xi32>
      %broadcast_in_dim3A_810 = arith.constant 56 : i32
      %broadcast_in_dim3A_811 = vector.broadcast %broadcast_in_dim3A_810 : i32 to vector<16xi32>
      %add3A_812 = arith.constant 56 : i32
      %add3A_813 = vector.broadcast %add3A_812 : i32 to vector<16xi32>
      %add3A_814 = arith.addi %mul3A_21, %add3A_813 : vector<16xi32>
      %gather3A_815 = tpu.vector_load_idx %arg5[%add3A_814] : memref<65536xf32, #tpu.memory_space<vmem>>[vector<16xi32>], vector<16xf32>,
      %gt3A_816 = arith.cmpf ogt, %gather3A_815, %select_n3A_808 : vector<16xf32>
      %gt3A_817 = arith.cmpf ogt, %gather3A_815, %select_n3A_805 : vector<16xf32>
      %select_n3A_818 = arith.select %gt3A_817, %gather3A_815, %select_n3A_805 : vector<16xi1>, vector<16xf32>
      %select_n3A_819 = arith.select %gt3A_816, %select_n3A_808, %select_n3A_818 : vector<16xi1>, vector<16xf32>
      %select_n3A_820 = arith.select %gt3A_817, %broadcast_in_dim3A_811, %select_n3A_807 : vector<16xi1>, vector<16xi32>
      %select_n3A_821 = arith.select %gt3A_816, %select_n3A_809, %select_n3A_820 : vector<16xi1>, vector<16xi32>
      %select_n3A_822 = arith.select %gt3A_816, %gather3A_815, %select_n3A_808 : vector<16xi1>, vector<16xf32>
      %select_n3A_823 = arith.select %gt3A_816, %broadcast_in_dim3A_811, %select_n3A_809 : vector<16xi1>, vector<16xi32>
      %broadcast_in_dim3A_824 = arith.constant 57 : i32
      %broadcast_in_dim3A_825 = vector.broadcast %broadcast_in_dim3A_824 : i32 to vector<16xi32>
      %add3A_826 = arith.constant 57 : i32
      %add3A_827 = vector.broadcast %add3A_826 : i32 to vector<16xi32>
      %add3A_828 = arith.addi %mul3A_21, %add3A_827 : vector<16xi32>
      %gather3A_829 = tpu.vector_load_idx %arg5[%add3A_828] : memref<65536xf32, #tpu.memory_space<vmem>>[vector<16xi32>], vector<16xf32>,
      %gt3A_830 = arith.cmpf ogt, %gather3A_829, %select_n3A_822 : vector<16xf32>
      %gt3A_831 = arith.cmpf ogt, %gather3A_829, %select_n3A_819 : vector<16xf32>
      %select_n3A_832 = arith.select %gt3A_831, %gather3A_829, %select_n3A_819 : vector<16xi1>, vector<16xf32>
      %select_n3A_833 = arith.select %gt3A_830, %select_n3A_822, %select_n3A_832 : vector<16xi1>, vector<16xf32>
      %select_n3A_834 = arith.select %gt3A_831, %broadcast_in_dim3A_825, %select_n3A_821 : vector<16xi1>, vector<16xi32>
      %select_n3A_835 = arith.select %gt3A_830, %select_n3A_823, %select_n3A_834 : vector<16xi1>, vector<16xi32>
      %select_n3A_836 = arith.select %gt3A_830, %gather3A_829, %select_n3A_822 : vector<16xi1>, vector<16xf32>
      %select_n3A_837 = arith.select %gt3A_830, %broadcast_in_dim3A_825, %select_n3A_823 : vector<16xi1>, vector<16xi32>
      %broadcast_in_dim3A_838 = arith.constant 58 : i32
      %broadcast_in_dim3A_839 = vector.broadcast %broadcast_in_dim3A_838 : i32 to vector<16xi32>
      %add3A_840 = arith.constant 58 : i32
      %add3A_841 = vector.broadcast %add3A_840 : i32 to vector<16xi32>
      %add3A_842 = arith.addi %mul3A_21, %add3A_841 : vector<16xi32>
      %gather3A_843 = tpu.vector_load_idx %arg5[%add3A_842] : memref<65536xf32, #tpu.memory_space<vmem>>[vector<16xi32>], vector<16xf32>,
      %gt3A_844 = arith.cmpf ogt, %gather3A_843, %select_n3A_836 : vector<16xf32>
      %gt3A_845 = arith.cmpf ogt, %gather3A_843, %select_n3A_833 : vector<16xf32>
      %select_n3A_846 = arith.select %gt3A_845, %gather3A_843, %select_n3A_833 : vector<16xi1>, vector<16xf32>
      %select_n3A_847 = arith.select %gt3A_844, %select_n3A_836, %select_n3A_846 : vector<16xi1>, vector<16xf32>
      %select_n3A_848 = arith.select %gt3A_845, %broadcast_in_dim3A_839, %select_n3A_835 : vector<16xi1>, vector<16xi32>
      %select_n3A_849 = arith.select %gt3A_844, %select_n3A_837, %select_n3A_848 : vector<16xi1>, vector<16xi32>
      %select_n3A_850 = arith.select %gt3A_844, %gather3A_843, %select_n3A_836 : vector<16xi1>, vector<16xf32>
      %select_n3A_851 = arith.select %gt3A_844, %broadcast_in_dim3A_839, %select_n3A_837 : vector<16xi1>, vector<16xi32>
      %broadcast_in_dim3A_852 = arith.constant 59 : i32
      %broadcast_in_dim3A_853 = vector.broadcast %broadcast_in_dim3A_852 : i32 to vector<16xi32>
      %add3A_854 = arith.constant 59 : i32
      %add3A_855 = vector.broadcast %add3A_854 : i32 to vector<16xi32>
      %add3A_856 = arith.addi %mul3A_21, %add3A_855 : vector<16xi32>
      %gather3A_857 = tpu.vector_load_idx %arg5[%add3A_856] : memref<65536xf32, #tpu.memory_space<vmem>>[vector<16xi32>], vector<16xf32>,
      %gt3A_858 = arith.cmpf ogt, %gather3A_857, %select_n3A_850 : vector<16xf32>
      %gt3A_859 = arith.cmpf ogt, %gather3A_857, %select_n3A_847 : vector<16xf32>
      %select_n3A_860 = arith.select %gt3A_859, %gather3A_857, %select_n3A_847 : vector<16xi1>, vector<16xf32>
      %select_n3A_861 = arith.select %gt3A_858, %select_n3A_850, %select_n3A_860 : vector<16xi1>, vector<16xf32>
      %select_n3A_862 = arith.select %gt3A_859, %broadcast_in_dim3A_853, %select_n3A_849 : vector<16xi1>, vector<16xi32>
      %select_n3A_863 = arith.select %gt3A_858, %select_n3A_851, %select_n3A_862 : vector<16xi1>, vector<16xi32>
      %select_n3A_864 = arith.select %gt3A_858, %gather3A_857, %select_n3A_850 : vector<16xi1>, vector<16xf32>
      %select_n3A_865 = arith.select %gt3A_858, %broadcast_in_dim3A_853, %select_n3A_851 : vector<16xi1>, vector<16xi32>
      %broadcast_in_dim3A_866 = arith.constant 60 : i32
      %broadcast_in_dim3A_867 = vector.broadcast %broadcast_in_dim3A_866 : i32 to vector<16xi32>
      %add3A_868 = arith.constant 60 : i32
      %add3A_869 = vector.broadcast %add3A_868 : i32 to vector<16xi32>
      %add3A_870 = arith.addi %mul3A_21, %add3A_869 : vector<16xi32>
      %gather3A_871 = tpu.vector_load_idx %arg5[%add3A_870] : memref<65536xf32, #tpu.memory_space<vmem>>[vector<16xi32>], vector<16xf32>,
      %gt3A_872 = arith.cmpf ogt, %gather3A_871, %select_n3A_864 : vector<16xf32>
      %gt3A_873 = arith.cmpf ogt, %gather3A_871, %select_n3A_861 : vector<16xf32>
      %select_n3A_874 = arith.select %gt3A_873, %gather3A_871, %select_n3A_861 : vector<16xi1>, vector<16xf32>
      %select_n3A_875 = arith.select %gt3A_872, %select_n3A_864, %select_n3A_874 : vector<16xi1>, vector<16xf32>
      %select_n3A_876 = arith.select %gt3A_873, %broadcast_in_dim3A_867, %select_n3A_863 : vector<16xi1>, vector<16xi32>
      %select_n3A_877 = arith.select %gt3A_872, %select_n3A_865, %select_n3A_876 : vector<16xi1>, vector<16xi32>
      %select_n3A_878 = arith.select %gt3A_872, %gather3A_871, %select_n3A_864 : vector<16xi1>, vector<16xf32>
      %select_n3A_879 = arith.select %gt3A_872, %broadcast_in_dim3A_867, %select_n3A_865 : vector<16xi1>, vector<16xi32>
      %broadcast_in_dim3A_880 = arith.constant 61 : i32
      %broadcast_in_dim3A_881 = vector.broadcast %broadcast_in_dim3A_880 : i32 to vector<16xi32>
      %add3A_882 = arith.constant 61 : i32
      %add3A_883 = vector.broadcast %add3A_882 : i32 to vector<16xi32>
      %add3A_884 = arith.addi %mul3A_21, %add3A_883 : vector<16xi32>
      %gather3A_885 = tpu.vector_load_idx %arg5[%add3A_884] : memref<65536xf32, #tpu.memory_space<vmem>>[vector<16xi32>], vector<16xf32>,
      %gt3A_886 = arith.cmpf ogt, %gather3A_885, %select_n3A_878 : vector<16xf32>
      %gt3A_887 = arith.cmpf ogt, %gather3A_885, %select_n3A_875 : vector<16xf32>
      %select_n3A_888 = arith.select %gt3A_887, %gather3A_885, %select_n3A_875 : vector<16xi1>, vector<16xf32>
      %select_n3A_889 = arith.select %gt3A_886, %select_n3A_878, %select_n3A_888 : vector<16xi1>, vector<16xf32>
      %select_n3A_890 = arith.select %gt3A_887, %broadcast_in_dim3A_881, %select_n3A_877 : vector<16xi1>, vector<16xi32>
      %select_n3A_891 = arith.select %gt3A_886, %select_n3A_879, %select_n3A_890 : vector<16xi1>, vector<16xi32>
      %select_n3A_892 = arith.select %gt3A_886, %gather3A_885, %select_n3A_878 : vector<16xi1>, vector<16xf32>
      %select_n3A_893 = arith.select %gt3A_886, %broadcast_in_dim3A_881, %select_n3A_879 : vector<16xi1>, vector<16xi32>
      %broadcast_in_dim3A_894 = arith.constant 62 : i32
      %broadcast_in_dim3A_895 = vector.broadcast %broadcast_in_dim3A_894 : i32 to vector<16xi32>
      %add3A_896 = arith.constant 62 : i32
      %add3A_897 = vector.broadcast %add3A_896 : i32 to vector<16xi32>
      %add3A_898 = arith.addi %mul3A_21, %add3A_897 : vector<16xi32>
      %gather3A_899 = tpu.vector_load_idx %arg5[%add3A_898] : memref<65536xf32, #tpu.memory_space<vmem>>[vector<16xi32>], vector<16xf32>,
      %gt3A_900 = arith.cmpf ogt, %gather3A_899, %select_n3A_892 : vector<16xf32>
      %gt3A_901 = arith.cmpf ogt, %gather3A_899, %select_n3A_889 : vector<16xf32>
      %select_n3A_902 = arith.select %gt3A_901, %gather3A_899, %select_n3A_889 : vector<16xi1>, vector<16xf32>
      %select_n3A_903 = arith.select %gt3A_900, %select_n3A_892, %select_n3A_902 : vector<16xi1>, vector<16xf32>
      %select_n3A_904 = arith.select %gt3A_901, %broadcast_in_dim3A_895, %select_n3A_891 : vector<16xi1>, vector<16xi32>
      %select_n3A_905 = arith.select %gt3A_900, %select_n3A_893, %select_n3A_904 : vector<16xi1>, vector<16xi32>
      %select_n3A_906 = arith.select %gt3A_900, %gather3A_899, %select_n3A_892 : vector<16xi1>, vector<16xf32>
      %select_n3A_907 = arith.select %gt3A_900, %broadcast_in_dim3A_895, %select_n3A_893 : vector<16xi1>, vector<16xi32>
      %broadcast_in_dim3A_908 = arith.constant 63 : i32
      %broadcast_in_dim3A_909 = vector.broadcast %broadcast_in_dim3A_908 : i32 to vector<16xi32>
      %add3A_910 = arith.constant 63 : i32
      %add3A_911 = vector.broadcast %add3A_910 : i32 to vector<16xi32>
      %add3A_912 = arith.addi %mul3A_21, %add3A_911 : vector<16xi32>
      %gather3A_913 = tpu.vector_load_idx %arg5[%add3A_912] : memref<65536xf32, #tpu.memory_space<vmem>>[vector<16xi32>], vector<16xf32>,
      %gt3A_914 = arith.cmpf ogt, %gather3A_913, %select_n3A_906 : vector<16xf32>
      %gt3A_915 = arith.cmpf ogt, %gather3A_913, %select_n3A_903 : vector<16xf32>
      %select_n3A_916 = arith.select %gt3A_915, %gather3A_913, %select_n3A_903 : vector<16xi1>, vector<16xf32>
      %select_n3A_917 = arith.select %gt3A_914, %select_n3A_906, %select_n3A_916 : vector<16xi1>, vector<16xf32>
      %select_n3A_918 = arith.select %gt3A_915, %broadcast_in_dim3A_909, %select_n3A_905 : vector<16xi1>, vector<16xi32>
      %select_n3A_919 = arith.select %gt3A_914, %select_n3A_907, %select_n3A_918 : vector<16xi1>, vector<16xi32>
      %select_n3A_920 = arith.select %gt3A_914, %gather3A_913, %select_n3A_906 : vector<16xi1>, vector<16xf32>
      %select_n3A_921 = arith.select %gt3A_914, %broadcast_in_dim3A_909, %select_n3A_907 : vector<16xi1>, vector<16xi32>
      %broadcast_in_dim3A_922 = arith.constant 0.000000e+00 : f32
      %broadcast_in_dim3A_923 = vector.broadcast %broadcast_in_dim3A_922 : f32 to vector<16xf32>
      %add3A_924 = arith.constant 0 : i32
      %add3A_925 = vector.broadcast %add3A_924 : i32 to vector<16xi32>
      %add3A_926 = arith.addi %mul3A_21, %add3A_925 : vector<16xi32>
      %gather3A_927 = tpu.vector_load_idx %arg5[%add3A_926] : memref<65536xf32, #tpu.memory_space<vmem>>[vector<16xi32>], vector<16xf32>,
      %sub3A = arith.subf %gather3A_927, %select_n3A_920 : vector<16xf32>
      %exp3A = math.exp %sub3A : vector<16xf32>
      %add3A_928 = arith.addf %broadcast_in_dim3A_923, %exp3A : vector<16xf32>
      %add3A_929 = arith.constant 1 : i32
      %add3A_930 = vector.broadcast %add3A_929 : i32 to vector<16xi32>
      %add3A_931 = arith.addi %mul3A_21, %add3A_930 : vector<16xi32>
      %gather3A_932 = tpu.vector_load_idx %arg5[%add3A_931] : memref<65536xf32, #tpu.memory_space<vmem>>[vector<16xi32>], vector<16xf32>,
      %sub3A_933 = arith.subf %gather3A_932, %select_n3A_920 : vector<16xf32>
      %exp3A_934 = math.exp %sub3A_933 : vector<16xf32>
      %add3A_935 = arith.addf %add3A_928, %exp3A_934 : vector<16xf32>
      %add3A_936 = arith.constant 2 : i32
      %add3A_937 = vector.broadcast %add3A_936 : i32 to vector<16xi32>
      %add3A_938 = arith.addi %mul3A_21, %add3A_937 : vector<16xi32>
      %gather3A_939 = tpu.vector_load_idx %arg5[%add3A_938] : memref<65536xf32, #tpu.memory_space<vmem>>[vector<16xi32>], vector<16xf32>,
      %sub3A_940 = arith.subf %gather3A_939, %select_n3A_920 : vector<16xf32>
      %exp3A_941 = math.exp %sub3A_940 : vector<16xf32>
      %add3A_942 = arith.addf %add3A_935, %exp3A_941 : vector<16xf32>
      %add3A_943 = arith.constant 3 : i32
      %add3A_944 = vector.broadcast %add3A_943 : i32 to vector<16xi32>
      %add3A_945 = arith.addi %mul3A_21, %add3A_944 : vector<16xi32>
      %gather3A_946 = tpu.vector_load_idx %arg5[%add3A_945] : memref<65536xf32, #tpu.memory_space<vmem>>[vector<16xi32>], vector<16xf32>,
      %sub3A_947 = arith.subf %gather3A_946, %select_n3A_920 : vector<16xf32>
      %exp3A_948 = math.exp %sub3A_947 : vector<16xf32>
      %add3A_949 = arith.addf %add3A_942, %exp3A_948 : vector<16xf32>
      %add3A_950 = arith.constant 4 : i32
      %add3A_951 = vector.broadcast %add3A_950 : i32 to vector<16xi32>
      %add3A_952 = arith.addi %mul3A_21, %add3A_951 : vector<16xi32>
      %gather3A_953 = tpu.vector_load_idx %arg5[%add3A_952] : memref<65536xf32, #tpu.memory_space<vmem>>[vector<16xi32>], vector<16xf32>,
      %sub3A_954 = arith.subf %gather3A_953, %select_n3A_920 : vector<16xf32>
      %exp3A_955 = math.exp %sub3A_954 : vector<16xf32>
      %add3A_956 = arith.addf %add3A_949, %exp3A_955 : vector<16xf32>
      %add3A_957 = arith.constant 5 : i32
      %add3A_958 = vector.broadcast %add3A_957 : i32 to vector<16xi32>
      %add3A_959 = arith.addi %mul3A_21, %add3A_958 : vector<16xi32>
      %gather3A_960 = tpu.vector_load_idx %arg5[%add3A_959] : memref<65536xf32, #tpu.memory_space<vmem>>[vector<16xi32>], vector<16xf32>,
      %sub3A_961 = arith.subf %gather3A_960, %select_n3A_920 : vector<16xf32>
      %exp3A_962 = math.exp %sub3A_961 : vector<16xf32>
      %add3A_963 = arith.addf %add3A_956, %exp3A_962 : vector<16xf32>
      %add3A_964 = arith.constant 6 : i32
      %add3A_965 = vector.broadcast %add3A_964 : i32 to vector<16xi32>
      %add3A_966 = arith.addi %mul3A_21, %add3A_965 : vector<16xi32>
      %gather3A_967 = tpu.vector_load_idx %arg5[%add3A_966] : memref<65536xf32, #tpu.memory_space<vmem>>[vector<16xi32>], vector<16xf32>,
      %sub3A_968 = arith.subf %gather3A_967, %select_n3A_920 : vector<16xf32>
      %exp3A_969 = math.exp %sub3A_968 : vector<16xf32>
      %add3A_970 = arith.addf %add3A_963, %exp3A_969 : vector<16xf32>
      %add3A_971 = arith.constant 7 : i32
      %add3A_972 = vector.broadcast %add3A_971 : i32 to vector<16xi32>
      %add3A_973 = arith.addi %mul3A_21, %add3A_972 : vector<16xi32>
      %gather3A_974 = tpu.vector_load_idx %arg5[%add3A_973] : memref<65536xf32, #tpu.memory_space<vmem>>[vector<16xi32>], vector<16xf32>,
      %sub3A_975 = arith.subf %gather3A_974, %select_n3A_920 : vector<16xf32>
      %exp3A_976 = math.exp %sub3A_975 : vector<16xf32>
      %add3A_977 = arith.addf %add3A_970, %exp3A_976 : vector<16xf32>
      %add3A_978 = arith.constant 8 : i32
      %add3A_979 = vector.broadcast %add3A_978 : i32 to vector<16xi32>
      %add3A_980 = arith.addi %mul3A_21, %add3A_979 : vector<16xi32>
      %gather3A_981 = tpu.vector_load_idx %arg5[%add3A_980] : memref<65536xf32, #tpu.memory_space<vmem>>[vector<16xi32>], vector<16xf32>,
      %sub3A_982 = arith.subf %gather3A_981, %select_n3A_920 : vector<16xf32>
      %exp3A_983 = math.exp %sub3A_982 : vector<16xf32>
      %add3A_984 = arith.addf %add3A_977, %exp3A_983 : vector<16xf32>
      %add3A_985 = arith.constant 9 : i32
      %add3A_986 = vector.broadcast %add3A_985 : i32 to vector<16xi32>
      %add3A_987 = arith.addi %mul3A_21, %add3A_986 : vector<16xi32>
      %gather3A_988 = tpu.vector_load_idx %arg5[%add3A_987] : memref<65536xf32, #tpu.memory_space<vmem>>[vector<16xi32>], vector<16xf32>,
      %sub3A_989 = arith.subf %gather3A_988, %select_n3A_920 : vector<16xf32>
      %exp3A_990 = math.exp %sub3A_989 : vector<16xf32>
      %add3A_991 = arith.addf %add3A_984, %exp3A_990 : vector<16xf32>
      %add3A_992 = arith.constant 10 : i32
      %add3A_993 = vector.broadcast %add3A_992 : i32 to vector<16xi32>
      %add3A_994 = arith.addi %mul3A_21, %add3A_993 : vector<16xi32>
      %gather3A_995 = tpu.vector_load_idx %arg5[%add3A_994] : memref<65536xf32, #tpu.memory_space<vmem>>[vector<16xi32>], vector<16xf32>,
      %sub3A_996 = arith.subf %gather3A_995, %select_n3A_920 : vector<16xf32>
      %exp3A_997 = math.exp %sub3A_996 : vector<16xf32>
      %add3A_998 = arith.addf %add3A_991, %exp3A_997 : vector<16xf32>
      %add3A_999 = arith.constant 11 : i32
      %add3A_1000 = vector.broadcast %add3A_999 : i32 to vector<16xi32>
      %add3A_1001 = arith.addi %mul3A_21, %add3A_1000 : vector<16xi32>
      %gather3A_1002 = tpu.vector_load_idx %arg5[%add3A_1001] : memref<65536xf32, #tpu.memory_space<vmem>>[vector<16xi32>], vector<16xf32>,
      %sub3A_1003 = arith.subf %gather3A_1002, %select_n3A_920 : vector<16xf32>
      %exp3A_1004 = math.exp %sub3A_1003 : vector<16xf32>
      %add3A_1005 = arith.addf %add3A_998, %exp3A_1004 : vector<16xf32>
      %add3A_1006 = arith.constant 12 : i32
      %add3A_1007 = vector.broadcast %add3A_1006 : i32 to vector<16xi32>
      %add3A_1008 = arith.addi %mul3A_21, %add3A_1007 : vector<16xi32>
      %gather3A_1009 = tpu.vector_load_idx %arg5[%add3A_1008] : memref<65536xf32, #tpu.memory_space<vmem>>[vector<16xi32>], vector<16xf32>,
      %sub3A_1010 = arith.subf %gather3A_1009, %select_n3A_920 : vector<16xf32>
      %exp3A_1011 = math.exp %sub3A_1010 : vector<16xf32>
      %add3A_1012 = arith.addf %add3A_1005, %exp3A_1011 : vector<16xf32>
      %add3A_1013 = arith.constant 13 : i32
      %add3A_1014 = vector.broadcast %add3A_1013 : i32 to vector<16xi32>
      %add3A_1015 = arith.addi %mul3A_21, %add3A_1014 : vector<16xi32>
      %gather3A_1016 = tpu.vector_load_idx %arg5[%add3A_1015] : memref<65536xf32, #tpu.memory_space<vmem>>[vector<16xi32>], vector<16xf32>,
      %sub3A_1017 = arith.subf %gather3A_1016, %select_n3A_920 : vector<16xf32>
      %exp3A_1018 = math.exp %sub3A_1017 : vector<16xf32>
      %add3A_1019 = arith.addf %add3A_1012, %exp3A_1018 : vector<16xf32>
      %add3A_1020 = arith.constant 14 : i32
      %add3A_1021 = vector.broadcast %add3A_1020 : i32 to vector<16xi32>
      %add3A_1022 = arith.addi %mul3A_21, %add3A_1021 : vector<16xi32>
      %gather3A_1023 = tpu.vector_load_idx %arg5[%add3A_1022] : memref<65536xf32, #tpu.memory_space<vmem>>[vector<16xi32>], vector<16xf32>,
      %sub3A_1024 = arith.subf %gather3A_1023, %select_n3A_920 : vector<16xf32>
      %exp3A_1025 = math.exp %sub3A_1024 : vector<16xf32>
      %add3A_1026 = arith.addf %add3A_1019, %exp3A_1025 : vector<16xf32>
      %add3A_1027 = arith.constant 15 : i32
      %add3A_1028 = vector.broadcast %add3A_1027 : i32 to vector<16xi32>
      %add3A_1029 = arith.addi %mul3A_21, %add3A_1028 : vector<16xi32>
      %gather3A_1030 = tpu.vector_load_idx %arg5[%add3A_1029] : memref<65536xf32, #tpu.memory_space<vmem>>[vector<16xi32>], vector<16xf32>,
      %sub3A_1031 = arith.subf %gather3A_1030, %select_n3A_920 : vector<16xf32>
      %exp3A_1032 = math.exp %sub3A_1031 : vector<16xf32>
      %add3A_1033 = arith.addf %add3A_1026, %exp3A_1032 : vector<16xf32>
      %add3A_1034 = arith.constant 16 : i32
      %add3A_1035 = vector.broadcast %add3A_1034 : i32 to vector<16xi32>
      %add3A_1036 = arith.addi %mul3A_21, %add3A_1035 : vector<16xi32>
      %gather3A_1037 = tpu.vector_load_idx %arg5[%add3A_1036] : memref<65536xf32, #tpu.memory_space<vmem>>[vector<16xi32>], vector<16xf32>,
      %sub3A_1038 = arith.subf %gather3A_1037, %select_n3A_920 : vector<16xf32>
      %exp3A_1039 = math.exp %sub3A_1038 : vector<16xf32>
      %add3A_1040 = arith.addf %add3A_1033, %exp3A_1039 : vector<16xf32>
      %add3A_1041 = arith.constant 17 : i32
      %add3A_1042 = vector.broadcast %add3A_1041 : i32 to vector<16xi32>
      %add3A_1043 = arith.addi %mul3A_21, %add3A_1042 : vector<16xi32>
      %gather3A_1044 = tpu.vector_load_idx %arg5[%add3A_1043] : memref<65536xf32, #tpu.memory_space<vmem>>[vector<16xi32>], vector<16xf32>,
      %sub3A_1045 = arith.subf %gather3A_1044, %select_n3A_920 : vector<16xf32>
      %exp3A_1046 = math.exp %sub3A_1045 : vector<16xf32>
      %add3A_1047 = arith.addf %add3A_1040, %exp3A_1046 : vector<16xf32>
      %add3A_1048 = arith.constant 18 : i32
      %add3A_1049 = vector.broadcast %add3A_1048 : i32 to vector<16xi32>
      %add3A_1050 = arith.addi %mul3A_21, %add3A_1049 : vector<16xi32>
      %gather3A_1051 = tpu.vector_load_idx %arg5[%add3A_1050] : memref<65536xf32, #tpu.memory_space<vmem>>[vector<16xi32>], vector<16xf32>,
      %sub3A_1052 = arith.subf %gather3A_1051, %select_n3A_920 : vector<16xf32>
      %exp3A_1053 = math.exp %sub3A_1052 : vector<16xf32>
      %add3A_1054 = arith.addf %add3A_1047, %exp3A_1053 : vector<16xf32>
      %add3A_1055 = arith.constant 19 : i32
      %add3A_1056 = vector.broadcast %add3A_1055 : i32 to vector<16xi32>
      %add3A_1057 = arith.addi %mul3A_21, %add3A_1056 : vector<16xi32>
      %gather3A_1058 = tpu.vector_load_idx %arg5[%add3A_1057] : memref<65536xf32, #tpu.memory_space<vmem>>[vector<16xi32>], vector<16xf32>,
      %sub3A_1059 = arith.subf %gather3A_1058, %select_n3A_920 : vector<16xf32>
      %exp3A_1060 = math.exp %sub3A_1059 : vector<16xf32>
      %add3A_1061 = arith.addf %add3A_1054, %exp3A_1060 : vector<16xf32>
      %add3A_1062 = arith.constant 20 : i32
      %add3A_1063 = vector.broadcast %add3A_1062 : i32 to vector<16xi32>
      %add3A_1064 = arith.addi %mul3A_21, %add3A_1063 : vector<16xi32>
      %gather3A_1065 = tpu.vector_load_idx %arg5[%add3A_1064] : memref<65536xf32, #tpu.memory_space<vmem>>[vector<16xi32>], vector<16xf32>,
      %sub3A_1066 = arith.subf %gather3A_1065, %select_n3A_920 : vector<16xf32>
      %exp3A_1067 = math.exp %sub3A_1066 : vector<16xf32>
      %add3A_1068 = arith.addf %add3A_1061, %exp3A_1067 : vector<16xf32>
      %add3A_1069 = arith.constant 21 : i32
      %add3A_1070 = vector.broadcast %add3A_1069 : i32 to vector<16xi32>
      %add3A_1071 = arith.addi %mul3A_21, %add3A_1070 : vector<16xi32>
      %gather3A_1072 = tpu.vector_load_idx %arg5[%add3A_1071] : memref<65536xf32, #tpu.memory_space<vmem>>[vector<16xi32>], vector<16xf32>,
      %sub3A_1073 = arith.subf %gather3A_1072, %select_n3A_920 : vector<16xf32>
      %exp3A_1074 = math.exp %sub3A_1073 : vector<16xf32>
      %add3A_1075 = arith.addf %add3A_1068, %exp3A_1074 : vector<16xf32>
      %add3A_1076 = arith.constant 22 : i32
      %add3A_1077 = vector.broadcast %add3A_1076 : i32 to vector<16xi32>
      %add3A_1078 = arith.addi %mul3A_21, %add3A_1077 : vector<16xi32>
      %gather3A_1079 = tpu.vector_load_idx %arg5[%add3A_1078] : memref<65536xf32, #tpu.memory_space<vmem>>[vector<16xi32>], vector<16xf32>,
      %sub3A_1080 = arith.subf %gather3A_1079, %select_n3A_920 : vector<16xf32>
      %exp3A_1081 = math.exp %sub3A_1080 : vector<16xf32>
      %add3A_1082 = arith.addf %add3A_1075, %exp3A_1081 : vector<16xf32>
      %add3A_1083 = arith.constant 23 : i32
      %add3A_1084 = vector.broadcast %add3A_1083 : i32 to vector<16xi32>
      %add3A_1085 = arith.addi %mul3A_21, %add3A_1084 : vector<16xi32>
      %gather3A_1086 = tpu.vector_load_idx %arg5[%add3A_1085] : memref<65536xf32, #tpu.memory_space<vmem>>[vector<16xi32>], vector<16xf32>,
      %sub3A_1087 = arith.subf %gather3A_1086, %select_n3A_920 : vector<16xf32>
      %exp3A_1088 = math.exp %sub3A_1087 : vector<16xf32>
      %add3A_1089 = arith.addf %add3A_1082, %exp3A_1088 : vector<16xf32>
      %add3A_1090 = arith.constant 24 : i32
      %add3A_1091 = vector.broadcast %add3A_1090 : i32 to vector<16xi32>
      %add3A_1092 = arith.addi %mul3A_21, %add3A_1091 : vector<16xi32>
      %gather3A_1093 = tpu.vector_load_idx %arg5[%add3A_1092] : memref<65536xf32, #tpu.memory_space<vmem>>[vector<16xi32>], vector<16xf32>,
      %sub3A_1094 = arith.subf %gather3A_1093, %select_n3A_920 : vector<16xf32>
      %exp3A_1095 = math.exp %sub3A_1094 : vector<16xf32>
      %add3A_1096 = arith.addf %add3A_1089, %exp3A_1095 : vector<16xf32>
      %add3A_1097 = arith.constant 25 : i32
      %add3A_1098 = vector.broadcast %add3A_1097 : i32 to vector<16xi32>
      %add3A_1099 = arith.addi %mul3A_21, %add3A_1098 : vector<16xi32>
      %gather3A_1100 = tpu.vector_load_idx %arg5[%add3A_1099] : memref<65536xf32, #tpu.memory_space<vmem>>[vector<16xi32>], vector<16xf32>,
      %sub3A_1101 = arith.subf %gather3A_1100, %select_n3A_920 : vector<16xf32>
      %exp3A_1102 = math.exp %sub3A_1101 : vector<16xf32>
      %add3A_1103 = arith.addf %add3A_1096, %exp3A_1102 : vector<16xf32>
      %add3A_1104 = arith.constant 26 : i32
      %add3A_1105 = vector.broadcast %add3A_1104 : i32 to vector<16xi32>
      %add3A_1106 = arith.addi %mul3A_21, %add3A_1105 : vector<16xi32>
      %gather3A_1107 = tpu.vector_load_idx %arg5[%add3A_1106] : memref<65536xf32, #tpu.memory_space<vmem>>[vector<16xi32>], vector<16xf32>,
      %sub3A_1108 = arith.subf %gather3A_1107, %select_n3A_920 : vector<16xf32>
      %exp3A_1109 = math.exp %sub3A_1108 : vector<16xf32>
      %add3A_1110 = arith.addf %add3A_1103, %exp3A_1109 : vector<16xf32>
      %add3A_1111 = arith.constant 27 : i32
      %add3A_1112 = vector.broadcast %add3A_1111 : i32 to vector<16xi32>
      %add3A_1113 = arith.addi %mul3A_21, %add3A_1112 : vector<16xi32>
      %gather3A_1114 = tpu.vector_load_idx %arg5[%add3A_1113] : memref<65536xf32, #tpu.memory_space<vmem>>[vector<16xi32>], vector<16xf32>,
      %sub3A_1115 = arith.subf %gather3A_1114, %select_n3A_920 : vector<16xf32>
      %exp3A_1116 = math.exp %sub3A_1115 : vector<16xf32>
      %add3A_1117 = arith.addf %add3A_1110, %exp3A_1116 : vector<16xf32>
      %add3A_1118 = arith.constant 28 : i32
      %add3A_1119 = vector.broadcast %add3A_1118 : i32 to vector<16xi32>
      %add3A_1120 = arith.addi %mul3A_21, %add3A_1119 : vector<16xi32>
      %gather3A_1121 = tpu.vector_load_idx %arg5[%add3A_1120] : memref<65536xf32, #tpu.memory_space<vmem>>[vector<16xi32>], vector<16xf32>,
      %sub3A_1122 = arith.subf %gather3A_1121, %select_n3A_920 : vector<16xf32>
      %exp3A_1123 = math.exp %sub3A_1122 : vector<16xf32>
      %add3A_1124 = arith.addf %add3A_1117, %exp3A_1123 : vector<16xf32>
      %add3A_1125 = arith.constant 29 : i32
      %add3A_1126 = vector.broadcast %add3A_1125 : i32 to vector<16xi32>
      %add3A_1127 = arith.addi %mul3A_21, %add3A_1126 : vector<16xi32>
      %gather3A_1128 = tpu.vector_load_idx %arg5[%add3A_1127] : memref<65536xf32, #tpu.memory_space<vmem>>[vector<16xi32>], vector<16xf32>,
      %sub3A_1129 = arith.subf %gather3A_1128, %select_n3A_920 : vector<16xf32>
      %exp3A_1130 = math.exp %sub3A_1129 : vector<16xf32>
      %add3A_1131 = arith.addf %add3A_1124, %exp3A_1130 : vector<16xf32>
      %add3A_1132 = arith.constant 30 : i32
      %add3A_1133 = vector.broadcast %add3A_1132 : i32 to vector<16xi32>
      %add3A_1134 = arith.addi %mul3A_21, %add3A_1133 : vector<16xi32>
      %gather3A_1135 = tpu.vector_load_idx %arg5[%add3A_1134] : memref<65536xf32, #tpu.memory_space<vmem>>[vector<16xi32>], vector<16xf32>,
      %sub3A_1136 = arith.subf %gather3A_1135, %select_n3A_920 : vector<16xf32>
      %exp3A_1137 = math.exp %sub3A_1136 : vector<16xf32>
      %add3A_1138 = arith.addf %add3A_1131, %exp3A_1137 : vector<16xf32>
      %add3A_1139 = arith.constant 31 : i32
      %add3A_1140 = vector.broadcast %add3A_1139 : i32 to vector<16xi32>
      %add3A_1141 = arith.addi %mul3A_21, %add3A_1140 : vector<16xi32>
      %gather3A_1142 = tpu.vector_load_idx %arg5[%add3A_1141] : memref<65536xf32, #tpu.memory_space<vmem>>[vector<16xi32>], vector<16xf32>,
      %sub3A_1143 = arith.subf %gather3A_1142, %select_n3A_920 : vector<16xf32>
      %exp3A_1144 = math.exp %sub3A_1143 : vector<16xf32>
      %add3A_1145 = arith.addf %add3A_1138, %exp3A_1144 : vector<16xf32>
      %add3A_1146 = arith.constant 32 : i32
      %add3A_1147 = vector.broadcast %add3A_1146 : i32 to vector<16xi32>
      %add3A_1148 = arith.addi %mul3A_21, %add3A_1147 : vector<16xi32>
      %gather3A_1149 = tpu.vector_load_idx %arg5[%add3A_1148] : memref<65536xf32, #tpu.memory_space<vmem>>[vector<16xi32>], vector<16xf32>,
      %sub3A_1150 = arith.subf %gather3A_1149, %select_n3A_920 : vector<16xf32>
      %exp3A_1151 = math.exp %sub3A_1150 : vector<16xf32>
      %add3A_1152 = arith.addf %add3A_1145, %exp3A_1151 : vector<16xf32>
      %add3A_1153 = arith.constant 33 : i32
      %add3A_1154 = vector.broadcast %add3A_1153 : i32 to vector<16xi32>
      %add3A_1155 = arith.addi %mul3A_21, %add3A_1154 : vector<16xi32>
      %gather3A_1156 = tpu.vector_load_idx %arg5[%add3A_1155] : memref<65536xf32, #tpu.memory_space<vmem>>[vector<16xi32>], vector<16xf32>,
      %sub3A_1157 = arith.subf %gather3A_1156, %select_n3A_920 : vector<16xf32>
      %exp3A_1158 = math.exp %sub3A_1157 : vector<16xf32>
      %add3A_1159 = arith.addf %add3A_1152, %exp3A_1158 : vector<16xf32>
      %add3A_1160 = arith.constant 34 : i32
      %add3A_1161 = vector.broadcast %add3A_1160 : i32 to vector<16xi32>
      %add3A_1162 = arith.addi %mul3A_21, %add3A_1161 : vector<16xi32>
      %gather3A_1163 = tpu.vector_load_idx %arg5[%add3A_1162] : memref<65536xf32, #tpu.memory_space<vmem>>[vector<16xi32>], vector<16xf32>,
      %sub3A_1164 = arith.subf %gather3A_1163, %select_n3A_920 : vector<16xf32>
      %exp3A_1165 = math.exp %sub3A_1164 : vector<16xf32>
      %add3A_1166 = arith.addf %add3A_1159, %exp3A_1165 : vector<16xf32>
      %add3A_1167 = arith.constant 35 : i32
      %add3A_1168 = vector.broadcast %add3A_1167 : i32 to vector<16xi32>
      %add3A_1169 = arith.addi %mul3A_21, %add3A_1168 : vector<16xi32>
      %gather3A_1170 = tpu.vector_load_idx %arg5[%add3A_1169] : memref<65536xf32, #tpu.memory_space<vmem>>[vector<16xi32>], vector<16xf32>,
      %sub3A_1171 = arith.subf %gather3A_1170, %select_n3A_920 : vector<16xf32>
      %exp3A_1172 = math.exp %sub3A_1171 : vector<16xf32>
      %add3A_1173 = arith.addf %add3A_1166, %exp3A_1172 : vector<16xf32>
      %add3A_1174 = arith.constant 36 : i32
      %add3A_1175 = vector.broadcast %add3A_1174 : i32 to vector<16xi32>
      %add3A_1176 = arith.addi %mul3A_21, %add3A_1175 : vector<16xi32>
      %gather3A_1177 = tpu.vector_load_idx %arg5[%add3A_1176] : memref<65536xf32, #tpu.memory_space<vmem>>[vector<16xi32>], vector<16xf32>,
      %sub3A_1178 = arith.subf %gather3A_1177, %select_n3A_920 : vector<16xf32>
      %exp3A_1179 = math.exp %sub3A_1178 : vector<16xf32>
      %add3A_1180 = arith.addf %add3A_1173, %exp3A_1179 : vector<16xf32>
      %add3A_1181 = arith.constant 37 : i32
      %add3A_1182 = vector.broadcast %add3A_1181 : i32 to vector<16xi32>
      %add3A_1183 = arith.addi %mul3A_21, %add3A_1182 : vector<16xi32>
      %gather3A_1184 = tpu.vector_load_idx %arg5[%add3A_1183] : memref<65536xf32, #tpu.memory_space<vmem>>[vector<16xi32>], vector<16xf32>,
      %sub3A_1185 = arith.subf %gather3A_1184, %select_n3A_920 : vector<16xf32>
      %exp3A_1186 = math.exp %sub3A_1185 : vector<16xf32>
      %add3A_1187 = arith.addf %add3A_1180, %exp3A_1186 : vector<16xf32>
      %add3A_1188 = arith.constant 38 : i32
      %add3A_1189 = vector.broadcast %add3A_1188 : i32 to vector<16xi32>
      %add3A_1190 = arith.addi %mul3A_21, %add3A_1189 : vector<16xi32>
      %gather3A_1191 = tpu.vector_load_idx %arg5[%add3A_1190] : memref<65536xf32, #tpu.memory_space<vmem>>[vector<16xi32>], vector<16xf32>,
      %sub3A_1192 = arith.subf %gather3A_1191, %select_n3A_920 : vector<16xf32>
      %exp3A_1193 = math.exp %sub3A_1192 : vector<16xf32>
      %add3A_1194 = arith.addf %add3A_1187, %exp3A_1193 : vector<16xf32>
      %add3A_1195 = arith.constant 39 : i32
      %add3A_1196 = vector.broadcast %add3A_1195 : i32 to vector<16xi32>
      %add3A_1197 = arith.addi %mul3A_21, %add3A_1196 : vector<16xi32>
      %gather3A_1198 = tpu.vector_load_idx %arg5[%add3A_1197] : memref<65536xf32, #tpu.memory_space<vmem>>[vector<16xi32>], vector<16xf32>,
      %sub3A_1199 = arith.subf %gather3A_1198, %select_n3A_920 : vector<16xf32>
      %exp3A_1200 = math.exp %sub3A_1199 : vector<16xf32>
      %add3A_1201 = arith.addf %add3A_1194, %exp3A_1200 : vector<16xf32>
      %add3A_1202 = arith.constant 40 : i32
      %add3A_1203 = vector.broadcast %add3A_1202 : i32 to vector<16xi32>
      %add3A_1204 = arith.addi %mul3A_21, %add3A_1203 : vector<16xi32>
      %gather3A_1205 = tpu.vector_load_idx %arg5[%add3A_1204] : memref<65536xf32, #tpu.memory_space<vmem>>[vector<16xi32>], vector<16xf32>,
      %sub3A_1206 = arith.subf %gather3A_1205, %select_n3A_920 : vector<16xf32>
      %exp3A_1207 = math.exp %sub3A_1206 : vector<16xf32>
      %add3A_1208 = arith.addf %add3A_1201, %exp3A_1207 : vector<16xf32>
      %add3A_1209 = arith.constant 41 : i32
      %add3A_1210 = vector.broadcast %add3A_1209 : i32 to vector<16xi32>
      %add3A_1211 = arith.addi %mul3A_21, %add3A_1210 : vector<16xi32>
      %gather3A_1212 = tpu.vector_load_idx %arg5[%add3A_1211] : memref<65536xf32, #tpu.memory_space<vmem>>[vector<16xi32>], vector<16xf32>,
      %sub3A_1213 = arith.subf %gather3A_1212, %select_n3A_920 : vector<16xf32>
      %exp3A_1214 = math.exp %sub3A_1213 : vector<16xf32>
      %add3A_1215 = arith.addf %add3A_1208, %exp3A_1214 : vector<16xf32>
      %add3A_1216 = arith.constant 42 : i32
      %add3A_1217 = vector.broadcast %add3A_1216 : i32 to vector<16xi32>
      %add3A_1218 = arith.addi %mul3A_21, %add3A_1217 : vector<16xi32>
      %gather3A_1219 = tpu.vector_load_idx %arg5[%add3A_1218] : memref<65536xf32, #tpu.memory_space<vmem>>[vector<16xi32>], vector<16xf32>,
      %sub3A_1220 = arith.subf %gather3A_1219, %select_n3A_920 : vector<16xf32>
      %exp3A_1221 = math.exp %sub3A_1220 : vector<16xf32>
      %add3A_1222 = arith.addf %add3A_1215, %exp3A_1221 : vector<16xf32>
      %add3A_1223 = arith.constant 43 : i32
      %add3A_1224 = vector.broadcast %add3A_1223 : i32 to vector<16xi32>
      %add3A_1225 = arith.addi %mul3A_21, %add3A_1224 : vector<16xi32>
      %gather3A_1226 = tpu.vector_load_idx %arg5[%add3A_1225] : memref<65536xf32, #tpu.memory_space<vmem>>[vector<16xi32>], vector<16xf32>,
      %sub3A_1227 = arith.subf %gather3A_1226, %select_n3A_920 : vector<16xf32>
      %exp3A_1228 = math.exp %sub3A_1227 : vector<16xf32>
      %add3A_1229 = arith.addf %add3A_1222, %exp3A_1228 : vector<16xf32>
      %add3A_1230 = arith.constant 44 : i32
      %add3A_1231 = vector.broadcast %add3A_1230 : i32 to vector<16xi32>
      %add3A_1232 = arith.addi %mul3A_21, %add3A_1231 : vector<16xi32>
      %gather3A_1233 = tpu.vector_load_idx %arg5[%add3A_1232] : memref<65536xf32, #tpu.memory_space<vmem>>[vector<16xi32>], vector<16xf32>,
      %sub3A_1234 = arith.subf %gather3A_1233, %select_n3A_920 : vector<16xf32>
      %exp3A_1235 = math.exp %sub3A_1234 : vector<16xf32>
      %add3A_1236 = arith.addf %add3A_1229, %exp3A_1235 : vector<16xf32>
      %add3A_1237 = arith.constant 45 : i32
      %add3A_1238 = vector.broadcast %add3A_1237 : i32 to vector<16xi32>
      %add3A_1239 = arith.addi %mul3A_21, %add3A_1238 : vector<16xi32>
      %gather3A_1240 = tpu.vector_load_idx %arg5[%add3A_1239] : memref<65536xf32, #tpu.memory_space<vmem>>[vector<16xi32>], vector<16xf32>,
      %sub3A_1241 = arith.subf %gather3A_1240, %select_n3A_920 : vector<16xf32>
      %exp3A_1242 = math.exp %sub3A_1241 : vector<16xf32>
      %add3A_1243 = arith.addf %add3A_1236, %exp3A_1242 : vector<16xf32>
      %add3A_1244 = arith.constant 46 : i32
      %add3A_1245 = vector.broadcast %add3A_1244 : i32 to vector<16xi32>
      %add3A_1246 = arith.addi %mul3A_21, %add3A_1245 : vector<16xi32>
      %gather3A_1247 = tpu.vector_load_idx %arg5[%add3A_1246] : memref<65536xf32, #tpu.memory_space<vmem>>[vector<16xi32>], vector<16xf32>,
      %sub3A_1248 = arith.subf %gather3A_1247, %select_n3A_920 : vector<16xf32>
      %exp3A_1249 = math.exp %sub3A_1248 : vector<16xf32>
      %add3A_1250 = arith.addf %add3A_1243, %exp3A_1249 : vector<16xf32>
      %add3A_1251 = arith.constant 47 : i32
      %add3A_1252 = vector.broadcast %add3A_1251 : i32 to vector<16xi32>
      %add3A_1253 = arith.addi %mul3A_21, %add3A_1252 : vector<16xi32>
      %gather3A_1254 = tpu.vector_load_idx %arg5[%add3A_1253] : memref<65536xf32, #tpu.memory_space<vmem>>[vector<16xi32>], vector<16xf32>,
      %sub3A_1255 = arith.subf %gather3A_1254, %select_n3A_920 : vector<16xf32>
      %exp3A_1256 = math.exp %sub3A_1255 : vector<16xf32>
      %add3A_1257 = arith.addf %add3A_1250, %exp3A_1256 : vector<16xf32>
      %add3A_1258 = arith.constant 48 : i32
      %add3A_1259 = vector.broadcast %add3A_1258 : i32 to vector<16xi32>
      %add3A_1260 = arith.addi %mul3A_21, %add3A_1259 : vector<16xi32>
      %gather3A_1261 = tpu.vector_load_idx %arg5[%add3A_1260] : memref<65536xf32, #tpu.memory_space<vmem>>[vector<16xi32>], vector<16xf32>,
      %sub3A_1262 = arith.subf %gather3A_1261, %select_n3A_920 : vector<16xf32>
      %exp3A_1263 = math.exp %sub3A_1262 : vector<16xf32>
      %add3A_1264 = arith.addf %add3A_1257, %exp3A_1263 : vector<16xf32>
      %add3A_1265 = arith.constant 49 : i32
      %add3A_1266 = vector.broadcast %add3A_1265 : i32 to vector<16xi32>
      %add3A_1267 = arith.addi %mul3A_21, %add3A_1266 : vector<16xi32>
      %gather3A_1268 = tpu.vector_load_idx %arg5[%add3A_1267] : memref<65536xf32, #tpu.memory_space<vmem>>[vector<16xi32>], vector<16xf32>,
      %sub3A_1269 = arith.subf %gather3A_1268, %select_n3A_920 : vector<16xf32>
      %exp3A_1270 = math.exp %sub3A_1269 : vector<16xf32>
      %add3A_1271 = arith.addf %add3A_1264, %exp3A_1270 : vector<16xf32>
      %add3A_1272 = arith.constant 50 : i32
      %add3A_1273 = vector.broadcast %add3A_1272 : i32 to vector<16xi32>
      %add3A_1274 = arith.addi %mul3A_21, %add3A_1273 : vector<16xi32>
      %gather3A_1275 = tpu.vector_load_idx %arg5[%add3A_1274] : memref<65536xf32, #tpu.memory_space<vmem>>[vector<16xi32>], vector<16xf32>,
      %sub3A_1276 = arith.subf %gather3A_1275, %select_n3A_920 : vector<16xf32>
      %exp3A_1277 = math.exp %sub3A_1276 : vector<16xf32>
      %add3A_1278 = arith.addf %add3A_1271, %exp3A_1277 : vector<16xf32>
      %add3A_1279 = arith.constant 51 : i32
      %add3A_1280 = vector.broadcast %add3A_1279 : i32 to vector<16xi32>
      %add3A_1281 = arith.addi %mul3A_21, %add3A_1280 : vector<16xi32>
      %gather3A_1282 = tpu.vector_load_idx %arg5[%add3A_1281] : memref<65536xf32, #tpu.memory_space<vmem>>[vector<16xi32>], vector<16xf32>,
      %sub3A_1283 = arith.subf %gather3A_1282, %select_n3A_920 : vector<16xf32>
      %exp3A_1284 = math.exp %sub3A_1283 : vector<16xf32>
      %add3A_1285 = arith.addf %add3A_1278, %exp3A_1284 : vector<16xf32>
      %add3A_1286 = arith.constant 52 : i32
      %add3A_1287 = vector.broadcast %add3A_1286 : i32 to vector<16xi32>
      %add3A_1288 = arith.addi %mul3A_21, %add3A_1287 : vector<16xi32>
      %gather3A_1289 = tpu.vector_load_idx %arg5[%add3A_1288] : memref<65536xf32, #tpu.memory_space<vmem>>[vector<16xi32>], vector<16xf32>,
      %sub3A_1290 = arith.subf %gather3A_1289, %select_n3A_920 : vector<16xf32>
      %exp3A_1291 = math.exp %sub3A_1290 : vector<16xf32>
      %add3A_1292 = arith.addf %add3A_1285, %exp3A_1291 : vector<16xf32>
      %add3A_1293 = arith.constant 53 : i32
      %add3A_1294 = vector.broadcast %add3A_1293 : i32 to vector<16xi32>
      %add3A_1295 = arith.addi %mul3A_21, %add3A_1294 : vector<16xi32>
      %gather3A_1296 = tpu.vector_load_idx %arg5[%add3A_1295] : memref<65536xf32, #tpu.memory_space<vmem>>[vector<16xi32>], vector<16xf32>,
      %sub3A_1297 = arith.subf %gather3A_1296, %select_n3A_920 : vector<16xf32>
      %exp3A_1298 = math.exp %sub3A_1297 : vector<16xf32>
      %add3A_1299 = arith.addf %add3A_1292, %exp3A_1298 : vector<16xf32>
      %add3A_1300 = arith.constant 54 : i32
      %add3A_1301 = vector.broadcast %add3A_1300 : i32 to vector<16xi32>
      %add3A_1302 = arith.addi %mul3A_21, %add3A_1301 : vector<16xi32>
      %gather3A_1303 = tpu.vector_load_idx %arg5[%add3A_1302] : memref<65536xf32, #tpu.memory_space<vmem>>[vector<16xi32>], vector<16xf32>,
      %sub3A_1304 = arith.subf %gather3A_1303, %select_n3A_920 : vector<16xf32>
      %exp3A_1305 = math.exp %sub3A_1304 : vector<16xf32>
      %add3A_1306 = arith.addf %add3A_1299, %exp3A_1305 : vector<16xf32>
      %add3A_1307 = arith.constant 55 : i32
      %add3A_1308 = vector.broadcast %add3A_1307 : i32 to vector<16xi32>
      %add3A_1309 = arith.addi %mul3A_21, %add3A_1308 : vector<16xi32>
      %gather3A_1310 = tpu.vector_load_idx %arg5[%add3A_1309] : memref<65536xf32, #tpu.memory_space<vmem>>[vector<16xi32>], vector<16xf32>,
      %sub3A_1311 = arith.subf %gather3A_1310, %select_n3A_920 : vector<16xf32>
      %exp3A_1312 = math.exp %sub3A_1311 : vector<16xf32>
      %add3A_1313 = arith.addf %add3A_1306, %exp3A_1312 : vector<16xf32>
      %add3A_1314 = arith.constant 56 : i32
      %add3A_1315 = vector.broadcast %add3A_1314 : i32 to vector<16xi32>
      %add3A_1316 = arith.addi %mul3A_21, %add3A_1315 : vector<16xi32>
      %gather3A_1317 = tpu.vector_load_idx %arg5[%add3A_1316] : memref<65536xf32, #tpu.memory_space<vmem>>[vector<16xi32>], vector<16xf32>,
      %sub3A_1318 = arith.subf %gather3A_1317, %select_n3A_920 : vector<16xf32>
      %exp3A_1319 = math.exp %sub3A_1318 : vector<16xf32>
      %add3A_1320 = arith.addf %add3A_1313, %exp3A_1319 : vector<16xf32>
      %add3A_1321 = arith.constant 57 : i32
      %add3A_1322 = vector.broadcast %add3A_1321 : i32 to vector<16xi32>
      %add3A_1323 = arith.addi %mul3A_21, %add3A_1322 : vector<16xi32>
      %gather3A_1324 = tpu.vector_load_idx %arg5[%add3A_1323] : memref<65536xf32, #tpu.memory_space<vmem>>[vector<16xi32>], vector<16xf32>,
      %sub3A_1325 = arith.subf %gather3A_1324, %select_n3A_920 : vector<16xf32>
      %exp3A_1326 = math.exp %sub3A_1325 : vector<16xf32>
      %add3A_1327 = arith.addf %add3A_1320, %exp3A_1326 : vector<16xf32>
      %add3A_1328 = arith.constant 58 : i32
      %add3A_1329 = vector.broadcast %add3A_1328 : i32 to vector<16xi32>
      %add3A_1330 = arith.addi %mul3A_21, %add3A_1329 : vector<16xi32>
      %gather3A_1331 = tpu.vector_load_idx %arg5[%add3A_1330] : memref<65536xf32, #tpu.memory_space<vmem>>[vector<16xi32>], vector<16xf32>,
      %sub3A_1332 = arith.subf %gather3A_1331, %select_n3A_920 : vector<16xf32>
      %exp3A_1333 = math.exp %sub3A_1332 : vector<16xf32>
      %add3A_1334 = arith.addf %add3A_1327, %exp3A_1333 : vector<16xf32>
      %add3A_1335 = arith.constant 59 : i32
      %add3A_1336 = vector.broadcast %add3A_1335 : i32 to vector<16xi32>
      %add3A_1337 = arith.addi %mul3A_21, %add3A_1336 : vector<16xi32>
      %gather3A_1338 = tpu.vector_load_idx %arg5[%add3A_1337] : memref<65536xf32, #tpu.memory_space<vmem>>[vector<16xi32>], vector<16xf32>,
      %sub3A_1339 = arith.subf %gather3A_1338, %select_n3A_920 : vector<16xf32>
      %exp3A_1340 = math.exp %sub3A_1339 : vector<16xf32>
      %add3A_1341 = arith.addf %add3A_1334, %exp3A_1340 : vector<16xf32>
      %add3A_1342 = arith.constant 60 : i32
      %add3A_1343 = vector.broadcast %add3A_1342 : i32 to vector<16xi32>
      %add3A_1344 = arith.addi %mul3A_21, %add3A_1343 : vector<16xi32>
      %gather3A_1345 = tpu.vector_load_idx %arg5[%add3A_1344] : memref<65536xf32, #tpu.memory_space<vmem>>[vector<16xi32>], vector<16xf32>,
      %sub3A_1346 = arith.subf %gather3A_1345, %select_n3A_920 : vector<16xf32>
      %exp3A_1347 = math.exp %sub3A_1346 : vector<16xf32>
      %add3A_1348 = arith.addf %add3A_1341, %exp3A_1347 : vector<16xf32>
      %add3A_1349 = arith.constant 61 : i32
      %add3A_1350 = vector.broadcast %add3A_1349 : i32 to vector<16xi32>
      %add3A_1351 = arith.addi %mul3A_21, %add3A_1350 : vector<16xi32>
      %gather3A_1352 = tpu.vector_load_idx %arg5[%add3A_1351] : memref<65536xf32, #tpu.memory_space<vmem>>[vector<16xi32>], vector<16xf32>,
      %sub3A_1353 = arith.subf %gather3A_1352, %select_n3A_920 : vector<16xf32>
      %exp3A_1354 = math.exp %sub3A_1353 : vector<16xf32>
      %add3A_1355 = arith.addf %add3A_1348, %exp3A_1354 : vector<16xf32>
      %add3A_1356 = arith.constant 62 : i32
      %add3A_1357 = vector.broadcast %add3A_1356 : i32 to vector<16xi32>
      %add3A_1358 = arith.addi %mul3A_21, %add3A_1357 : vector<16xi32>
      %gather3A_1359 = tpu.vector_load_idx %arg5[%add3A_1358] : memref<65536xf32, #tpu.memory_space<vmem>>[vector<16xi32>], vector<16xf32>,
      %sub3A_1360 = arith.subf %gather3A_1359, %select_n3A_920 : vector<16xf32>
      %exp3A_1361 = math.exp %sub3A_1360 : vector<16xf32>
      %add3A_1362 = arith.addf %add3A_1355, %exp3A_1361 : vector<16xf32>
      %add3A_1363 = arith.constant 63 : i32
      %add3A_1364 = vector.broadcast %add3A_1363 : i32 to vector<16xi32>
      %add3A_1365 = arith.addi %mul3A_21, %add3A_1364 : vector<16xi32>
      %gather3A_1366 = tpu.vector_load_idx %arg5[%add3A_1365] : memref<65536xf32, #tpu.memory_space<vmem>>[vector<16xi32>], vector<16xf32>,
      %sub3A_1367 = arith.subf %gather3A_1366, %select_n3A_920 : vector<16xf32>
      %exp3A_1368 = math.exp %sub3A_1367 : vector<16xf32>
      %add3A_1369 = arith.addf %add3A_1362, %exp3A_1368 : vector<16xf32>
      %div3A = arith.constant 1.000000e+00 : f32
      %div3A_1370 = vector.broadcast %div3A : f32 to vector<16xf32>
      %div3A_1371 = arith.divf %div3A_1370, %add3A_1369 : vector<16xf32>
      %sub3A_1372 = arith.subf %select_n3A_917, %select_n3A_920 : vector<16xf32>
      %exp3A_1373 = math.exp %sub3A_1372 : vector<16xf32>
      %div3A_1374 = arith.divf %exp3A_1373, %add3A_1369 : vector<16xf32>
      %mul3A_1375 = arith.constant 2 : i32
      %mul3A_1376 = vector.broadcast %mul3A_1375 : i32 to vector<16xi32>
      %mul3A_1377 = arith.muli %add3A_18, %mul3A_1376 : vector<16xi32>
      tpu.vector_store_idx %arg6[%mul3A_1377], %select_n3A_921 : memref<2048xi32, #tpu.memory_space<vmem>>[vector<16xi32>], vector<16xi32>,
      %mul3A_1378 = arith.constant 2 : i32
      %mul3A_1379 = vector.broadcast %mul3A_1378 : i32 to vector<16xi32>
      %mul3A_1380 = arith.muli %add3A_18, %mul3A_1379 : vector<16xi32>
      %add3A_1381 = arith.constant 1 : i32
      %add3A_1382 = vector.broadcast %add3A_1381 : i32 to vector<16xi32>
      %add3A_1383 = arith.addi %mul3A_1380, %add3A_1382 : vector<16xi32>
      tpu.vector_store_idx %arg6[%add3A_1383], %select_n3A_919 : memref<2048xi32, #tpu.memory_space<vmem>>[vector<16xi32>], vector<16xi32>,
      %mul3A_1384 = arith.constant 2 : i32
      %mul3A_1385 = vector.broadcast %mul3A_1384 : i32 to vector<16xi32>
      %mul3A_1386 = arith.muli %add3A_18, %mul3A_1385 : vector<16xi32>
      tpu.vector_store_idx %arg7[%mul3A_1386], %div3A_1371 : memref<2048xf32, #tpu.memory_space<vmem>>[vector<16xi32>], vector<16xf32>,
      %mul3A_1387 = arith.constant 2 : i32
      %mul3A_1388 = vector.broadcast %mul3A_1387 : i32 to vector<16xi32>
      %mul3A_1389 = arith.muli %add3A_18, %mul3A_1388 : vector<16xi32>
      %add3A_1390 = arith.constant 1 : i32
      %add3A_1391 = vector.broadcast %add3A_1390 : i32 to vector<16xi32>
      %add3A_1392 = arith.addi %mul3A_1389, %add3A_1391 : vector<16xi32>
      tpu.vector_store_idx %arg7[%add3A_1392], %div3A_1374 : memref<2048xf32, #tpu.memory_space<vmem>>[vector<16xi32>], vector<16xf32>,
    }
    %scan3A_9 = arith.constant 64 : i32
    %mul3A_10 = arith.constant 2 : i32
    %mul3A_11 = arith.muli %mul3A_2, %mul3A_10 : i32
    "tpu.region"() ({
      %run_scoped3A = tpu.sem_alloc : memref<!tpu.dma_semaphore, #tpu.memory_space<semaphore_mem>>
      %dma_start3A = tpu.memref_slice %arg3[%mul3A_11] : memref<65536xi32, #tpu.memory_space<hbm>> -> memref<2048xi32, #tpu.memory_space<hbm>>
      %dma_start3A_14 = tpu.memref_slice %arg3[%mul3A_11] : memref<65536xi32, #tpu.memory_space<hbm>> -> memref<2048xi32, #tpu.memory_space<hbm>>
      tpu.enqueue_dma source(%arg6 : memref<2048xi32, #tpu.memory_space<vmem>>) target(%dma_start3A_14 : memref<2048xi32, #tpu.memory_space<hbm>>) target_semaphore(%run_scoped3A : memref<!tpu.dma_semaphore, #tpu.memory_space<semaphore_mem>>)
      %dma_wait3A = tpu.memref_slice %arg3[%mul3A_11] : memref<65536xi32, #tpu.memory_space<hbm>> -> memref<2048xi32, #tpu.memory_space<hbm>>
      %dma_wait3A_15 = tpu.memref_slice %arg3[%mul3A_11] : memref<65536xi32, #tpu.memory_space<hbm>> -> memref<2048xi32, #tpu.memory_space<hbm>>
      tpu.wait_dma2 semaphore(%run_scoped3A : memref<!tpu.dma_semaphore, #tpu.memory_space<semaphore_mem>>) src(%arg6 : memref<2048xi32, #tpu.memory_space<vmem>>) dst(%dma_wait3A_15 : memref<2048xi32, #tpu.memory_space<hbm>>)
      tpu.yield
    }) : () -> ()
    %mul3A_12 = arith.constant 2 : i32
    %mul3A_13 = arith.muli %mul3A_2, %mul3A_12 : i32
    "tpu.region"() ({
      %run_scoped3A = tpu.sem_alloc : memref<!tpu.dma_semaphore, #tpu.memory_space<semaphore_mem>>
      %dma_start3A = tpu.memref_slice %arg4[%mul3A_13] : memref<65536xf32, #tpu.memory_space<hbm>> -> memref<2048xf32, #tpu.memory_space<hbm>>
      %dma_start3A_14 = tpu.memref_slice %arg4[%mul3A_13] : memref<65536xf32, #tpu.memory_space<hbm>> -> memref<2048xf32, #tpu.memory_space<hbm>>
      tpu.enqueue_dma source(%arg7 : memref<2048xf32, #tpu.memory_space<vmem>>) target(%dma_start3A_14 : memref<2048xf32, #tpu.memory_space<hbm>>) target_semaphore(%run_scoped3A : memref<!tpu.dma_semaphore, #tpu.memory_space<semaphore_mem>>)
      %dma_wait3A = tpu.memref_slice %arg4[%mul3A_13] : memref<65536xf32, #tpu.memory_space<hbm>> -> memref<2048xf32, #tpu.memory_space<hbm>>
      %dma_wait3A_15 = tpu.memref_slice %arg4[%mul3A_13] : memref<65536xf32, #tpu.memory_space<hbm>> -> memref<2048xf32, #tpu.memory_space<hbm>>
      tpu.wait_dma2 semaphore(%run_scoped3A : memref<!tpu.dma_semaphore, #tpu.memory_space<semaphore_mem>>) src(%arg7 : memref<2048xf32, #tpu.memory_space<vmem>>) dst(%dma_wait3A_15 : memref<2048xf32, #tpu.memory_space<hbm>>)
      tpu.yield
    }) : () -> ()
    return
  }
}

module attributes {stable_mosaic.version = 14 : i64} {
  func.func @_scores_kernel(%arg0: i32, %arg1: memref<4096x768xf32, #tpu.memory_space<vmem>>, %arg2: memref<768x64xf32, #tpu.memory_space<vmem>>, %arg3: memref<64xf32, #tpu.memory_space<vmem>>, %arg4: memref<64x64xf32, #tpu.memory_space<vmem>>, %arg5: memref<64xf32, #tpu.memory_space<vmem>>, %arg6: memref<4096x64xf32, #tpu.memory_space<vmem>>) attributes {dimension_semantics = [#tpu.dimension_semantics<arbitrary>], iteration_bounds = array<i64: 8>, scalar_prefetch = 0 : i64, scratch_operands = 0 : i64, tpu.core_type = #tpu.core_type<tc>, window_params = [{transform_indices = @transform_0, window_bounds = array<i64: 4096, 768>}, {pipeline_mode = #tpu.pipeline_mode<synchronous>, transform_indices = @transform_1, window_bounds = array<i64: 768, 64>}, {pipeline_mode = #tpu.pipeline_mode<synchronous>, transform_indices = @transform_2, window_bounds = array<i64: 64>}, {pipeline_mode = #tpu.pipeline_mode<synchronous>, transform_indices = @transform_3, window_bounds = array<i64: 64, 64>}, {pipeline_mode = #tpu.pipeline_mode<synchronous>, transform_indices = @transform_4, window_bounds = array<i64: 64>}, {transform_indices = @transform_5, window_bounds = array<i64: 4096, 64>}]} {
    %get3A = arith.constant 0 : index
    %get3A_0 = arith.constant 0 : index
    %get3A_1 = vector.load %arg1[%get3A, %get3A_0] : memref<4096x768xf32, #tpu.memory_space<vmem>>, vector<4096x768xf32>
    %get3A_2 = arith.constant 0 : index
    %get3A_3 = arith.constant 0 : index
    %get3A_4 = vector.load %arg2[%get3A_2, %get3A_3] : memref<768x64xf32, #tpu.memory_space<vmem>>, vector<768x64xf32>
    %dot_general3A = arith.constant dense<0.000000e+00> : vector<4096x64xf32>
    %dot_general3A_5 = tpu.matmul %get3A_1, %get3A_4, %dot_general3A {dimension_numbers = #tpu.dot_dimension_numbers<[1], [0], [0], [1], [0, 0, 1, 1], [], []>, transpose_lhs_hint = false} : vector<4096x768xf32>, vector<768x64xf32>, vector<4096x64xf32> -> vector<4096x64xf32>
    %get3A_6 = arith.constant 0 : index
    %get3A_7 = vector.load %arg3[%get3A_6] : memref<64xf32, #tpu.memory_space<vmem>>, vector<64xf32>
    %broadcast_in_dim3A = vector.shape_cast %get3A_7 : vector<64xf32> to vector<1x64xf32>
    %add3A = vector.broadcast %broadcast_in_dim3A : vector<1x64xf32> to vector<4096x64xf32>
    %add3A_8 = arith.addf %dot_general3A_5, %add3A : vector<4096x64xf32>
    %max3A = arith.constant 0.000000e+00 : f32
    %max3A_9 = vector.broadcast %max3A : f32 to vector<4096x64xf32>
    %max3A_10 = arith.maximumf %add3A_8, %max3A_9 : vector<4096x64xf32>
    %get3A_11 = arith.constant 0 : index
    %get3A_12 = arith.constant 0 : index
    %get3A_13 = vector.load %arg4[%get3A_11, %get3A_12] : memref<64x64xf32, #tpu.memory_space<vmem>>, vector<64x64xf32>
    %dot_general3A_14 = arith.constant dense<0.000000e+00> : vector<4096x64xf32>
    %dot_general3A_15 = tpu.matmul %max3A_10, %get3A_13, %dot_general3A_14 {dimension_numbers = #tpu.dot_dimension_numbers<[1], [0], [0], [1], [0, 0, 1, 1], [], []>, transpose_lhs_hint = false} : vector<4096x64xf32>, vector<64x64xf32>, vector<4096x64xf32> -> vector<4096x64xf32>
    %get3A_16 = arith.constant 0 : index
    %get3A_17 = vector.load %arg5[%get3A_16] : memref<64xf32, #tpu.memory_space<vmem>>, vector<64xf32>
    %broadcast_in_dim3A_18 = vector.shape_cast %get3A_17 : vector<64xf32> to vector<1x64xf32>
    %add3A_19 = vector.broadcast %broadcast_in_dim3A_18 : vector<1x64xf32> to vector<4096x64xf32>
    %add3A_20 = arith.addf %dot_general3A_15, %add3A_19 : vector<4096x64xf32>
    %swap3A = arith.constant 0 : index
    %swap3A_21 = arith.constant 0 : index
    %swap3A_22 = vector.load %arg6[%swap3A, %swap3A_21] : memref<4096x64xf32, #tpu.memory_space<vmem>>, vector<4096x64xf32>
    tpu.vector_store %arg6[%swap3A, %swap3A_21], %add3A_20 {strides = array<i32>} : memref<4096x64xf32, #tpu.memory_space<vmem>>, vector<4096x64xf32>,
    return
  }
  func.func @transform_0(%arg0: i32) -> (i32, i32) {
    %c0_i32 = arith.constant 0 : i32
    %c0_i32_0 = arith.constant 0 : i32
    return %arg0, %c0_i32 : i32, i32
  }
  func.func @transform_1(%arg0: i32) -> (i32, i32) {
    %c0_i32 = arith.constant 0 : i32
    %c0_i32_0 = arith.constant 0 : i32
    %c0_i32_1 = arith.constant 0 : i32
    return %c0_i32, %c0_i32_0 : i32, i32
  }
  func.func @transform_2(%arg0: i32) -> i32 {
    %c0_i32 = arith.constant 0 : i32
    %c0_i32_0 = arith.constant 0 : i32
    return %c0_i32 : i32
  }
  func.func @transform_3(%arg0: i32) -> (i32, i32) {
    %c0_i32 = arith.constant 0 : i32
    %c0_i32_0 = arith.constant 0 : i32
    %c0_i32_1 = arith.constant 0 : i32
    return %c0_i32, %c0_i32_0 : i32, i32
  }
  func.func @transform_4(%arg0: i32) -> i32 {
    %c0_i32 = arith.constant 0 : i32
    %c0_i32_0 = arith.constant 0 : i32
    return %c0_i32 : i32
  }
  func.func @transform_5(%arg0: i32) -> (i32, i32) {
    %c0_i32 = arith.constant 0 : i32
    %c0_i32_0 = arith.constant 0 : i32
    return %arg0, %c0_i32 : i32, i32
  }
}

</mosaic_0001>

<sc_bundles>
// kernel: kernel.4.cloned.1.call-start
scs
__scs_entry_jumppad:
0x0: {  	(pc) =	sbr.rel $0x88, $3  }
0x1: {  	(tag) =	ssettag $0x0;
	lr =	simm.s32 $0x1  }
0x2: {  	[smem:$0x3F9C] =	sst lr;
	_ =	strace $0xD0000000  }
0x3: {  	_ = 	snop  }
0x4: {  	_ = 	snop  }
0x5: {  	_ = 	snop  }
0x6: {  	_ = 	snop  }
0x7: {  	_ = 	snop  }
__scs_overlays_trampoline_lowered:
0x8: {  	[smem:$0x3FAB] =	sst s0  }
0x9: {  	[smem:$0x3FAC] =	sst s1  }
0xa: {  	[smem:$0x3FAD] =	sst s2  }
0xb: {  	[smem:$0x3FAE] =	sst s3  }
0xc: {  	[smem:$0x3FAF] =	sst s4  }
0xd: {  	[smem:$0x3FB0] =	sst s5  }
0xe: {  	[smem:$0x3FB1] =	sst s6  }
0xf: {  	[smem:$0x3FB2] =	sst s7  }
0x10: {  	[smem:$0x3FB3] =	sst s8  }
0x11: {  	[smem:$0x3FB4] =	sst s9;
	s0 =	simm.s32 @!p0 $0x0  }
0x12: {  	s1 =	sld [smem:$0x3F9A];
	s0 =	simm.s32 @p0 $0x1  }
0x13: {  	[smem:$0x3FB5] =	sst s0;
	s0 =	simm.s32 @!p1 $0x0  }
0x14: {  	s2 =	sld [smem:$0x3F99];
	s0 =	simm.s32 @p1 $0x1  }
0x15: {  	[smem:$0x3FB6] =	sst s0;
	s0 =	simm.s32 @!p2 $0x0  }
0x16: {  	s3 =	sld [smem:$0x3FDB];
	s0 =	simm.s32 @p2 $0x1  }
0x17: {  	s4 =	simm.s32 $0x1BF5;
	[smem:$0x3FB8] =	sst s0  }
0x18: {  	s0 =	sld [smem:$0x3F9B];
	_ =	swait.ge [sflag:s4], $0x0  }
0x19: {  	s7 =	sld [smem:$0x3F9C]  }
0x1a: {  	s8 =	sadd.s32 $0xFFFFE003, lr  }
0x1b: {  	s9 =	sadd.s32 $0xFFFFFEF7, lr;
	s5 =	simm.s32 $0xFFFFFFFF;
	p2 =	slt.u32 s8, $0xFFFFF086  }
0x1c: {  	p1 =	slt.u32 s9, $0xF7A;
	s5 =	simm.s32 @!p2 $0x0  }
0x1d: {  	s5 =	simm.s32 @p1 $0x1;
	p0 =	seq.s32 s7, s2  }
0x1e: {  	s7 =	smul.u32 @!p0 $0xF7A, s2;
	p2 =	seq.s32 @!p0 s5, $0x0  }
0x1f: {  	s9 =	smul.u32 $0xF7A, s1;
	s8 =	simm.s32 @!p0 $0x1BF5;
	p2 =	por !p2, p0  }
0x20: {  	[sflag:s8] =	ssyncset.s32 @!p0 $0xFFFFF086;
	s6 =	sadd.s32 @!p0 s3, s7;
	s7 =	simm.s32 @!p0 $0x108  }
0x21: {  	s3 =	sadd.s32 s3, s9;
	s6 =	sadd.s32 @!p0 $0x88, s6;
	s7 =	simm.s32 @p2 $0x1082  }
0x22: {  	[simem:s7], [sflag:s8] =	dma.local @!p0 [hbm:s6], $0xF7A  }
0x23: {  	s9 =	sor.u32 $0xD0000000, s2;
	s6 =	simm.s32 $0x108;
	_ =	swait.ge @!p0 [sflag:s8], $0x0  }
0x24: {  	s3 =	sadd.s32 $0x88, s3;
	s6 =	simm.s32 @!p1 $0x1082;
	[sflag:s4] =	ssyncset.s32 $0xFFFFF086  }
0x25: {  	[simem:s6], [sflag:s4] =	dma.local [hbm:s3], $0xF7A  }
0x26: {  	[smem:$0x3F9C] =	sst s1;
	(tag) =	ssettag s2;
	_ =	strace s9  }
0x27: {  	s1 =	sld [smem:$0x3FAC]  }
0x28: {  	s2 =	sld [smem:$0x3FAD]  }
0x29: {  	s4 =	sld [smem:$0x3FAF]  }
0x2a: {  	p0 =	seq.s32 s5, $0x0;
	s5 =	sld [smem:$0x3FB0]  }
0x2b: {  	s6 =	sld [smem:$0x3FB1]  }
0x2c: {  	s7 =	sld [smem:$0x3FB2]  }
0x2d: {  	s3 =	simm.s32 $0x108;
	s8 =	sld [smem:$0x3FB3]  }
0x2e: {  	s3 =	simm.s32 @!p0 $0x1082;
	s9 =	sld [smem:$0x3FB4]  }
0x2f: {  	lr =	sadd.s32 s0, s3;
	s0 =	sld [smem:$0x3FAB]  }
0x30: {  	s3 =	sld [smem:$0x3FAE]  }
0x31: {  	[smem:$0x3FB7] =	sst s10  }
0x32: {  	s10 =	sld [smem:$0x3FB5];
	_ =	sdelay $0x3  }
0x33: {  	p0 =	seq.s32 s10, $0x1;
	s10 =	sld [smem:$0x3FB7];
	_ =	sdelay $0x3  }
0x34: {  	[smem:$0x3FB7] =	sst s10  }
0x35: {  	s10 =	sld [smem:$0x3FB6];
	_ =	sdelay $0x3  }
0x36: {  	p1 =	seq.s32 s10, $0x1;
	s10 =	sld [smem:$0x3FB7];
	_ =	sdelay $0x3  }
0x37: {  	[smem:$0x3FB7] =	sst s10  }
0x38: {  	s10 =	sld [smem:$0x3FB8]  }
0x39: {  	_ = 	snop;
	(pc) =	sbr.ind lr, $3  }
0x3a: {  	_ = 	snop  }
0x3b: {  	_ = 	snop  }
0x3c: {  	p2 =	seq.s32 s10, $0x1;
	s10 =	sld [smem:$0x3FB7]  }
0x3d: {  	_ =	shalt  }
0x3e: {  	_ =	shalt  }
0x3f: {  	_ =	shalt  }
0x40: {  	_ =	shalt  }
0x41: {  	_ =	shalt  }
0x42: {  	_ =	shalt  }
0x43: {  	_ =	shalt  }
0x44: {  	_ =	shalt  }
0x45: {  	_ =	shalt  }
0x46: {  	_ =	shalt  }
0x47: {  	_ =	shalt  }
0x48: {  	_ =	shalt  }
0x49: {  	_ =	shalt  }
0x4a: {  	_ =	shalt  }
0x4b: {  	_ =	shalt  }
0x4c: {  	_ =	shalt  }
0x4d: {  	_ =	shalt  }
0x4e: {  	_ =	shalt  }
0x4f: {  	_ =	shalt  }
0x50: {  	_ =	shalt  }
0x51: {  	_ =	shalt  }
0x52: {  	_ =	shalt  }
0x53: {  	_ =	shalt  }
0x54: {  	_ =	shalt  }
0x55: {  	_ =	shalt  }
0x56: {  	_ =	shalt  }
0x57: {  	_ =	shalt  }
0x58: {  	_ =	shalt  }
0x59: {  	_ =	shalt  }
0x5a: {  	_ =	shalt  }
0x5b: {  	_ =	shalt  }
0x5c: {  	_ =	shalt  }
0x5d: {  	_ =	shalt  }
0x5e: {  	_ =	shalt  }
0x5f: {  	_ =	shalt  }
0x60: {  	_ =	shalt  }
0x61: {  	_ =	shalt  }
0x62: {  	_ =	shalt  }
0x63: {  	_ =	shalt  }
0x64: {  	_ =	shalt  }
0x65: {  	_ =	shalt  }
0x66: {  	_ =	shalt  }
0x67: {  	_ =	shalt  }
0x68: {  	_ =	shalt  }
0x69: {  	_ =	shalt  }
0x6a: {  	_ =	shalt  }
0x6b: {  	_ =	shalt  }
0x6c: {  	_ =	shalt  }
0x6d: {  	_ =	shalt  }
0x6e: {  	_ =	shalt  }
0x6f: {  	_ =	shalt  }
0x70: {  	_ =	shalt  }
0x71: {  	_ =	shalt  }
0x72: {  	_ =	shalt  }
0x73: {  	_ =	shalt  }
0x74: {  	_ =	shalt  }
0x75: {  	_ =	shalt  }
0x76: {  	_ =	shalt  }
0x77: {  	_ =	shalt  }
0x78: {  	_ =	shalt  }
0x79: {  	_ =	shalt  }
0x7a: {  	_ =	shalt  }
0x7b: {  	_ =	shalt  }
0x7c: {  	_ =	shalt  }
0x7d: {  	_ =	shalt  }
0x7e: {  	_ =	shalt  }
0x7f: {  	_ =	shalt  }
0x80: {  	_ =	shalt  }
0x81: {  	_ =	shalt  }
0x82: {  	_ =	shalt  }
0x83: {  	_ =	shalt  }
0x84: {  	_ =	shalt  }
0x85: {  	_ =	shalt  }
0x86: {  	_ =	shalt  }
0x87: {  	_ =	shalt  }
.Lfunc_end0:
.L_simem_size_0:
called_computation_lowered:
.L_overlay_start_0:
0x88: {  	s2 =	sld [smem:$0x3FD9]  }
0x89: {  	s3 =	sld [smem:$0x3FFE];
	_ =	sdelay $0x1  }
0x8a: {  	s1 =	srdreg.scid  }
0x8b: {  	s0 =	sand.u32 $0x1, s1  }
0x8c: {  	s14 =	sshll.u32 s0, $0xA;
	s2 =	sadd.s32 s3, s2  }
0x8d: {  	s2 =	sadd.s32 s2, s14  }
0x8e: {  	[smem:$0x3FC3] =	sst s2  }
0x8f: {  	_ = 	snop  }
0x90: {  	s2 =	sld [smem:$0x3FD0];
	_ =	sdelay $0x2  }
0x91: {  	s15 =	simm.s32 $0xA;
	s4 =	simm.s32 $0x10  }
0x92: {  	[smem:s4], [sflag:s15] =	dma.local [hbm:s2], $0x1  }
0x93: {  	_ =	swait.eq [sflag:s15], $0x1  }
0x94: {  	[sflag:s15] =	ssyncset.done $0x0  }
0x95: {  	[sflag:s15] =	ssyncadd.s32 $0xFFFFFFFF  }
0x96: {  	s16 =	sld [smem:$0x11];
	(tm) =	ssettm $0x1  }
0x97: {  	s17 =	sld [smem:$0x3FFB];
	_ =	sdelay $0x3  }
0x98: {  	_ =	strace s17  }
0x99: {  	s3 =	sld [smem:$0x3FFC];
	_ =	sdelay $0x3  }
0x9a: {  	_ =	strace s3  }
0x9b: {  	s3 =	sld [smem:$0x3FFD];
	_ =	sdelay $0x3  }
0x9c: {  	_ =	strace s3  }
0x9d: {  	_ =	strace $0x8FFFFFFF  }
0x9e: {  	s18 =	sld [smem:$0x3FDB];
	_ =	sdelay $0x1  }
0x9f: {  	s19 =	simm.s32 $_scs_section_size  }
0xa0: {  	s5 =	simm.s32 $_size__tile_overlayer_lowered;
	s6 =	simm.s32 $_tile_overlayer_lowered  }
0xa1: {  	s22 =	simm.s32 $0x1BFF;
	s21 =	sshll.u32 s6, $0x1;
	s3 =	sadd.s32 s19, s18  }
0xa2: {  	s7 =	simm.s32 $0x0;
	s20 =	sshll.u32 s5, $0x1;
	s5 =	sadd.s32 s21, s3  }
0xa3: {  	[timem:s7], [sflag:s22] =	dma.local [hbm:s5], s20  }
0xa4: {  	_ =	swait.ge [sflag:s22], s20  }
0xa5: {  	s4 =	ssub.s32 $0x0, s20;
	[sflag:s22] =	ssyncset.done $0x0  }
0xa6: {  	[sflag:s22] =	ssyncadd.s32 s4;
	_ =	sdelay $0x1  }
0xa7: {  	s23 =	simm.s32 $0x1B8B  }
0xa8: {  	_ =	swait.ge [sflag:s23], $0x1  }
0xa9: {  	[sflag:s23] =	ssyncset.done $0x0  }
0xaa: {  	s25 =	simm.s32 $0x1B8E;
	s24 =	sld [smem:$0x3FFE];
	[sflag:s23] =	ssyncadd.s32 $0xFFFFFFFF  }
0xab: {  	s26 =	simm.s32 $execute0_lowered;
	[smem:$0x3FD2] =	sst s25  }
0xac: {  	s5 =	sshll.u32 s26, $0x1;
	_ =	strace $0x80000046;
	[dreg:$0x1] =	wrdreg $0xFFFFFFFF  }
0xad: {  	s28 =	simm.s32 $_size_execute0_lowered;
	s3 =	sadd.s32 s3, s5;
	[dreg:$0x0] =	wrdreg $0x0  }
0xae: {  	s5 =	sshll.u32 s28, $0x1;
	[dreg:$0x2] =	wrdreg s3  }
0xaf: {  	[dreg:$0x3] =	wrdreg s5  }
0xb0: {  	[dreg:$0x4] =	wrdreg $0xC0  }
0xb1: {  	_ =	task [dreg:s7], $0x5FFFF  }
0xb2: {  	[dreg:$0x1] =	wrdreg $0xFFFFFFFF  }
0xb3: {  	[dreg:$0x0] =	wrdreg $0x60  }
0xb4: {  	[dreg:$0x2] =	wrdreg s24  }
0xb5: {  	[dreg:$0x3] =	wrdreg s16  }
0xb6: {  	[dreg:$0x4] =	wrdreg $0x9  }
0xb7: {  	_ =	task.clear_ibuf [dreg:s7], $0x5FFFF;
	_ =	strace $0x90000046  }
0xb8: {  	s29 =	simm.s32 $0x9;
	_ =	strace $0x80000048  }
0xb9: {  	_ =	swait.ge [sflag:s29], $0x1  }
0xba: {  	[sflag:s29] =	ssyncadd.s32 $0xFFFFFFFF  }
0xbb: {  	_ =	strace $0x90000048  }
0xbc: {  	_ =	sfence  }
0xbd: {  	s30 =	sld [smem:$0x0];
	_ =	sdelay $0x2  }
0xbe: {  	s31 =	sshll.u32 s1, $0xD;
	s1 =	sshrl.u32 s1, $0x2  }
0xbf: {  	s3 =	sand.u32 $0x4000, s31;
	s1 =	sadd.s32 s1, s30  }
0xc0: {  	s0 =	sor.u32 s3, s0;
	s1 =	sshll.u32 s1, $0x11  }
0xc1: {  	s0 =	sor.u32 s1, s0  }
0xc2: {  	s0 =	sadd.s32 $0x8F2B, s0  }
0xc3: {  	[sflag:s0] =	ssyncadd.remote.s32 $0x1  }
0xc4: {  	_ =	sfence.sel $0xFFFF  }
0xc5: {  	[dreg:$0x0] =	wrdreg $0xFFFFFFFF;
	(pc) =	sbr.abs _section_cstart, $3  }
0xc6: {  	[dreg:$0x1] =	wrdreg $0xFFFFFFFF  }
0xc7: {  	_ =	task.clear_ibuf [dreg:s7], $0x2FFFF;
	_ =	strace $0x9FFFFFFF  }
0xc8: {  	(tm) =	ssettm $0x7FFFFFFF  }
0xc9: {  	_ =	shalt  }
tec
execute0_lowered:
.L_overlay_start_1:
0x0: {  	(tag) =	ssettag $0x1  }
0x1: {  	s3 =	rddreg [dreg:$0x0]  }
0x2: {  	s4 =	rddreg [dreg:$0x1]  }
0x3: {  	s0 =	rddreg [dreg:$0x2]  }
0x4: {  	s5 =	srdreg.scid;
	s1 =	stileid.u32  }
0x5: {  	s2 =	simm.s32 $0x0;
	s5 =	sand.u32 $0x1, s5;
	s6 =	sshll.u32 s1, $0x1  }
0x6: {  	s10 =	simm.s32 $0x0;
	[smem:$0x7FF] =	sst s2;
	s6 =	sor.u32 s5, s6  }
0x7: {  	_ =	strace $0x80000047;
	s5 =	ssub.s32 $0x2, s5;
	s7 =	sshll.u32 s6, $0xD  }
0x8: {  	s6 =	sshll.u32 s6, $0x8;
	s31 =	sshrl.u32 s5, $0x1;
	s7 =	sadd.s32 s7, s3  }
0x9: {  	s8 =	sadd.s32 s6, s3;
	s9 =	ssub.s32 s5, s31;
	s4 =	sadd.s32 s4, s6  }
0xa: {  	s3 =	sadd.s32 $0x1000, s7;
	s5 =	sadd.s32 $0x41000, s8;
	s6 =	smax.u32 s9, $0x1  }
0xb: {  	v0 =	vlaneseq.u32;
	v4 =	vimm.s32 $0x0;
	s7 =	simm.s32 $0x1;
	s8 =	simm.s32 $0x10000;
	s9 =	simm.s32 $0x10800  }
.LBB2_1:
0xc: {  	[tilespmem:s2], [sflag:$0x1] =	stream.linear.gather [hbm4b:s3+s2], $0x10000, $0x38;
	[tilespmem:$0x11000] =	vst v63  }
0xd: {  	_ =	swait.ge [sflag:s7], $0x10000  }
0xe: {  	[sflag:s7] =	ssyncset.done $0x0  }
0xf: {  	s11 =	simm.s32 $0x0;
	[sflag:s7] =	ssyncadd.s32 $0xFFFF0000  }
.LBB2_2:
0x10: {  	v0 =	vor.u32 s11, v0  }
0x11: {  	v8 =	vshll.u32 v0, $0x6;
	_ =	sdelay $0x1  }
0x12: {  	[tilespmem:$0x1FFF0] =	vst v0;
	v0 =	vor.u32 $0x1, v8;
	_ =	sdelay $0x2  }
0x13: {  	v1 =	vor.u32 $0x2, v8;
	v3 =	vld.idx.msk [tilespmem:v8+s2+$0x0], $0xffff;
	_ =	sdelay $0x1  }
0x14: {  	v31 =	vld.idx.msk [tilespmem:v0+s2+$0x0], $0xffff;
	v0 =	vor.u32 $0x3, v8;
	_ =	sdelay $0x1  }
0x15: {  	v2 =	vor.u32 $0x4, v8  }
0x16: {  	v56 =	vld.idx.msk [tilespmem:v1+s2+$0x0], $0xffff;
	vm0 =	vgt.f32 v3, $-Inf  }
0x17: {  	[tilespmem:$0x1FAA0] =	vst v3;
	v1 =	vnsel vm0, $0xFF800000, v3;
	v3 =	vor.u32 $0x5, v8  }
0x18: {  	v59 =	vld.idx.msk [tilespmem:v0+s2+$0x0], $0xffff;
	vm12 =	vgt.f32 v31, v1  }
0x19: {  	v0 =	vor.u32 $0x6, v8;
	vm10 =	vmneg vm12  }
0x1a: {  	v60 =	vld.idx.msk [tilespmem:v2+s2+$0x0], $0xffff;
	v5 =	vsel vm10, v1, v31  }
0x1b: {  	v2 =	vor.u32 $0x7, v8;
	vm14 =	vgt.f32 v56, v5  }
0x1c: {  	v6 =	vsel vm14, v56, v5;
	v61 =	vld.idx.msk [tilespmem:v3+s2+$0x0], $0xffff  }
0x1d: {  	v3 =	vor.u32 $0x8, v8;
	vm15 =	vgt.f32 v59, v6  }
0x1e: {  	v62 =	vld.idx.msk [tilespmem:v0+s2+$0x0], $0xffff;
	v7 =	vsel vm15, v59, v6  }
0x1f: {  	v0 =	vor.u32 $0x9, v8;
	vm1 =	vgt.f32 v60, v7  }
0x20: {  	v42 =	vld.idx.msk [tilespmem:v2+s2+$0x0], $0xffff;
	v9 =	vsel vm1, v60, v7  }
0x21: {  	v2 =	vor.u32 $0xA, v8;
	vm2 =	vgt.f32 v61, v9  }
0x22: {  	v44 =	vld.idx.msk [tilespmem:v3+s2+$0x0], $0xffff;
	v10 =	vsel vm2, v61, v9  }
0x23: {  	v3 =	vor.u32 $0xB, v8;
	vm3 =	vgt.f32 v62, v10  }
0x24: {  	v46 =	vld.idx.msk [tilespmem:v0+s2+$0x0], $0xffff;
	v12 =	vsel vm3, v62, v10  }
0x25: {  	v0 =	vor.u32 $0xC, v8;
	vm4 =	vgt.f32 v42, v12  }
0x26: {  	v63 =	vld.idx.msk [tilespmem:v2+s2+$0x0], $0xffff;
	v14 =	vsel vm4, v42, v12  }
0x27: {  	vm5 =	vgt.f32 v44, v14  }
0x28: {  	v16 =	vld.idx.msk [tilespmem:v3+s2+$0x0], $0xffff;
	v19 =	vsel vm5, v44, v14  }
0x29: {  	v2 =	vor.u32 $0xD, v8;
	vm6 =	vgt.f32 v46, v19  }
0x2a: {  	v3 =	vor.u32 $0xE, v8;
	v17 =	vld.idx.msk [tilespmem:v0+s2+$0x0], $0xffff;
	v30 =	vsel vm6, v46, v19  }
0x2b: {  	vm7 =	vgt.f32 v63, v30  }
0x2c: {  	v36 =	vsel vm7, v63, v30  }
0x2d: {  	v11 =	vor.u32 $0x12, v8;
	v0 =	vor.u32 $0xF, v8;
	vm8 =	vgt.f32 v16, v36  }
0x2e: {  	v45 =	vor.u32 $0x15, v8;
	v15 =	vor.u32 $0x17, v8;
	v18 =	vld.idx.msk [tilespmem:v2+s2+$0x0], $0xffff;
	v37 =	vsel vm8, v16, v36  }
0x2f: {  	v2 =	vor.u32 $0x10, v8;
	v20 =	vld.idx.msk [tilespmem:v3+s2+$0x0], $0xffff;
	v3 =	vimm.s32 $0x0;
	vm13 =	vgt.f32 v17, v37  }
0x30: {  	v47 =	vor.u32 $0x18, v8;
	v34 =	vor.u32 $0x19, v8;
	v3 =	vsel vm13, $0xFFFFFFFF, v3  }
0x31: {  	v52 =	vor.u32 $0x1A, v8;
	v55 =	vor.u32 $0x1B, v8;
	[tilespmem:$0x1FA30] =	vst v3;
	v3 =	vor.u32 $0x11, v8  }
0x32: {  	vm9 =	vlt.f32 v31, $-Inf;
	vm11 =	vgt.f32 v31, $-Inf;
	v21 =	vld.idx.msk [tilespmem:v0+s2+$0x0], $0xffff;
	v35 =	vsel vm13, v17, v37  }
0x33: {  	v40 =	vor.u32 $0x1E, v8;
	vm11 =	vmor vm11, vm9;
	vm9 =	vgt.f32 v18, v35  }
0x34: {  	v22 =	vld.idx.msk [tilespmem:v2+s2+$0x0], $0xffff;
	v0 =	vnsel vm11, $0xFF800000, v31;
	vm11 =	vmand vm11, vm10;
	v38 =	vsel vm9, v18, v35  }
0x35: {  	v0 =	vsel vm10, v0, v1;
	v1 =	vor.u32 $0x13, v8;
	vm10 =	vgt.f32 v20, v38  }
0x36: {  	v13 =	vsel vm12, $0x1, v4;
	v2 =	vsel vm11, $0x1, v4;
	v58 =	vsel vm10, v20, v38;
	v23 =	vld.idx.msk [tilespmem:v3+s2+$0x0], $0xffff  }
0x37: {  	vm13 =	vgt.f32 v56, v0;
	vm11 =	vgt.f32 v21, v58;
	v3 =	vor.u32 $0x14, v8  }
0x38: {  	v26 =	vld.idx.msk [tilespmem:v11+s2+$0x0], $0xffff;
	v0 =	vsel vm13, v56, v0;
	v2 =	vsel vm13, $0x2, v2;
	v4 =	vsel vm11, v21, v58  }
0x39: {  	v5 =	vsel vm14, v5, v0;
	v2 =	vsel vm14, v13, v2;
	vm12 =	vgt.f32 v22, v4  }
0x3a: {  	v28 =	vld.idx.msk [tilespmem:v1+s2+$0x0], $0xffff;
	v13 =	vsel vm14, $0x2, v13;
	vm0 =	vgt.f32 v59, v5;
	v54 =	vsel vm12, v22, v4  }
0x3b: {  	v1 =	vsel vm0, v59, v5;
	v5 =	vor.u32 $0x16, v8;
	vm13 =	vgt.f32 v23, v54  }
0x3c: {  	v0 =	vimm.s32 $0x0;
	v6 =	vsel vm15, v6, v1;
	v29 =	vld.idx.msk [tilespmem:v3+s2+$0x0], $0xffff;
	v25 =	vsel vm13, v23, v54  }
0x3d: {  	v2 =	vsel vm0, $0x3, v2;
	vm0 =	vgt.f32 v60, v6;
	vm14 =	vgt.f32 v26, v25  }
0x3e: {  	v33 =	vld.idx.msk [tilespmem:v45+s2+$0x0], $0xffff;
	v1 =	vimm.s32 $0x0;
	v6 =	vsel vm0, v60, v6;
	v27 =	vsel vm14, v26, v25  }
0x3f: {  	v3 =	vsel vm15, v13, v2;
	v13 =	vsel vm15, $0x3, v13;
	vm15 =	vgt.f32 v28, v27  }
0x40: {  	v6 =	vsel vm1, v7, v6;
	v43 =	vld.idx.msk [tilespmem:v5+s2+$0x0], $0xffff;
	v24 =	vsel vm0, $0x4, v3;
	v3 =	vsel vm15, v28, v27  }
0x41: {  	v7 =	vsel vm1, v13, v24;
	v13 =	vsel vm1, $0x4, v13;
	vm0 =	vgt.f32 v29, v3  }
0x42: {  	v0 =	vsel vm0, $0xFFFFFFFF, v0;
	v32 =	vsel vm0, v29, v3;
	vm0 =	vgt.f32 v61, v6  }
0x43: {  	v49 =	vld.idx.msk [tilespmem:v15+s2+$0x0], $0xffff;
	[tilespmem:$0x1FA40] =	vst v0;
	vm1 =	vgt.f32 v33, v32;
	v0 =	vimm.s32 $0x0;
	v53 =	vsel vm0, v61, v6  }
0x44: {  	v7 =	vsel vm0, $0x5, v7;
	v0 =	vsel vm1, $0xFFFFFFFF, v0;
	v41 =	vsel vm1, v33, v32  }
0x45: {  	v50 =	vld.idx.msk [tilespmem:v47+s2+$0x0], $0xffff;
	v9 =	vsel vm2, v9, v53;
	[tilespmem:$0x1FA50] =	vst v0;
	vm0 =	vgt.f32 v43, v41;
	v0 =	vimm.s32 $0x0  }
0x46: {  	v57 =	vsel vm2, v13, v7;
	v13 =	vsel vm2, $0x5, v13;
	v0 =	vsel vm0, $0xFFFFFFFF, v0  }
0x47: {  	v45 =	vsel vm0, v43, v41;
	vm0 =	vgt.f32 v62, v9;
	[tilespmem:$0x1FA60] =	vst v0;
	v0 =	vld.idx.msk [tilespmem:v34+s2+$0x0], $0xffff;
	v34 =	vor.u32 $0x1C, v8  }
0x48: {  	vm2 =	vgt.f32 v49, v45;
	v39 =	vsel vm0, v62, v9;
	v24 =	vsel vm0, $0x6, v57  }
0x49: {  	v57 =	vor.u32 $0x1D, v8;
	v9 =	vor.u32 $0x20, v8;
	v48 =	vsel vm2, v49, v45  }
0x4a: {  	v51 =	vld.idx.msk [tilespmem:v52+s2+$0x0], $0xffff;
	v47 =	vsel vm3, v10, v39;
	v24 =	vsel vm3, v13, v24;
	vm0 =	vgt.f32 v50, v48  }
0x4b: {  	v1 =	vsel vm0, $0xFFFFFFFF, v1;
	v10 =	vsel vm0, v50, v48;
	vm0 =	vgt.f32 v42, v47  }
0x4c: {  	v52 =	vld.idx.msk [tilespmem:v55+s2+$0x0], $0xffff;
	v13 =	vsel vm3, $0x6, v13;
	v15 =	vsel vm0, v42, v47;
	v24 =	vsel vm0, $0x7, v24  }
0x4d: {  	[tilespmem:$0x1FA70] =	vst v1;
	v47 =	vsel vm4, $0x7, v13;
	v1 =	vimm.s32 $0x0;
	vm3 =	vgt.f32 v0, v10  }
0x4e: {  	v53 =	vld.idx.msk [tilespmem:v34+s2+$0x0], $0xffff;
	v15 =	vsel vm4, v12, v15;
	v34 =	vor.u32 $0x1F, v8;
	v11 =	vsel vm3, v0, v10  }
0x4f: {  	[tilespmem:$0x1FA80] =	vst v0;
	v24 =	vsel vm4, v13, v24;
	v0 =	vimm.s32 $0x0;
	vm0 =	vgt.f32 v51, v11  }
0x50: {  	v55 =	vld.idx.msk [tilespmem:v57+s2+$0x0], $0xffff;
	v0 =	vsel vm0, $0xFFFFFFFF, v0;
	v12 =	vsel vm0, v51, v11;
	vm0 =	vgt.f32 v44, v15  }
0x51: {  	v57 =	vld.idx.msk [tilespmem:v40+s2+$0x0], $0xffff;
	v40 =	vor.u32 $0x21, v8;
	vm4 =	vgt.f32 v52, v12;
	v15 =	vsel vm0, v44, v15  }
0x52: {  	[tilespmem:$0x1FA90] =	vst v0;
	v24 =	vsel vm0, $0x8, v24;
	v0 =	vimm.s32 $0x0;
	v13 =	vsel vm4, v52, v12  }
0x53: {  	[tilespmem:$0x1FAE0] =	vst v44;
	v44 =	vsel vm5, $0x8, v47;
	v15 =	vsel vm5, v14, v15;
	vm0 =	vgt.f32 v53, v13  }
0x54: {  	[tilespmem:$0x1FAD0] =	vst v42;
	v24 =	vsel vm5, v47, v24;
	v42 =	vld.idx.msk [tilespmem:v34+s2+$0x0], $0xffff;
	v34 =	vor.u32 $0x22, v8;
	v14 =	vsel vm0, v53, v13  }
0x55: {  	[tilespmem:$0x1FB00] =	vst v46;
	v0 =	vsel vm0, $0xFFFFFFFF, v0;
	vm0 =	vgt.f32 v46, v15;
	vm5 =	vgt.f32 v55, v14  }
0x56: {  	[tilespmem:$0x1FAB0] =	vst v0;
	v46 =	vsel vm0, v46, v15;
	v24 =	vsel vm0, $0x9, v24;
	v0 =	vld.idx.msk [tilespmem:v9+s2+$0x0], $0xffff;
	v15 =	vsel vm5, v55, v14  }
0x57: {  	v9 =	vsel vm6, v19, v46;
	v46 =	vor.u32 $0x23, v8;
	vm0 =	vgt.f32 v57, v15  }
0x58: {  	v40 =	vld.idx.msk [tilespmem:v40+s2+$0x0], $0xffff;
	v24 =	vsel vm6, v44, v24;
	v44 =	vsel vm6, $0x9, v44;
	v19 =	vsel vm0, v57, v15  }
0x59: {  	v1 =	vsel vm0, $0xFFFFFFFF, v1;
	vm0 =	vgt.f32 v63, v9;
	vm6 =	vgt.f32 v42, v19  }
0x5a: {  	v39 =	vsel vm0, v63, v9;
	v9 =	vsel vm0, $0xA, v24;
	v24 =	vsel vm6, v42, v19  }
0x5b: {  	v47 =	vor.u32 $0x24, v8;
	v7 =	vld.idx.msk [tilespmem:v34+s2+$0x0], $0xffff;
	[tilespmem:$0x1FAC0] =	vst v1;
	v1 =	vimm.s32 $0x0;
	vm0 =	vgt.f32 v0, v24  }
0x5c: {  	v34 =	vsel vm7, v30, v39;
	v39 =	vsel vm7, v44, v9;
	v30 =	vsel vm0, v0, v24  }
0x5d: {  	[tilespmem:$0x1FAF0] =	vst v0;
	v44 =	vsel vm7, $0xA, v44;
	v0 =	vimm.s32 $0x0;
	vm7 =	vgt.f32 v40, v30  }
0x5e: {  	v46 =	vld.idx.msk [tilespmem:v46+s2+$0x0], $0xffff;
	v1 =	vsel vm0, $0xFFFFFFFF, v1;
	vm0 =	vgt.f32 v16, v34;
	v0 =	vsel vm7, $0xFFFFFFFF, v0  }
0x5f: {  	[tilespmem:$0x1FB40] =	vst v0;
	v0 =	vsel vm0, v16, v34;
	v34 =	vsel vm7, v40, v30  }
0x60: {  	[tilespmem:$0x1FB30] =	vst v16;
	v5 =	vimm.s32 $0x0;
	vm7 =	vgt.f32 v7, v34  }
0x61: {  	v2 =	vor.u32 $0x25, v8;
	[tilespmem:$0x1FB10] =	vst v1;
	v1 =	vsel vm0, $0xB, v39;
	v5 =	vsel vm7, $0xFFFFFFFF, v5  }
0x62: {  	v6 =	vld.idx.msk [tilespmem:v47+s2+$0x0], $0xffff;
	v9 =	vor.u32 $0x26, v8;
	v1 =	vsel vm8, v44, v1;
	[tilespmem:$0x1FB90] =	vst v5;
	v5 =	vsel vm7, v7, v34  }
0x63: {  	[tilespmem:$0x1FB70] =	vst v7;
	v16 =	vsel vm8, $0xB, v44;
	v0 =	vsel vm8, v36, v0;
	vm8 =	vgt.f32 v46, v5  }
0x64: {  	[tilespmem:$0x1FBB0] =	vst v5;
	v7 =	vsel vm8, v46, v5;
	v5 =	vld [tilespmem:$0x1FA30];
	_ =	sdelay $0x1  }
0x65: {  	v47 =	vor.u32 $0x27, v8;
	v39 =	vld.idx.msk [tilespmem:v2+s2+$0x0], $0xffff;
	v2 =	vor.u32 $0x28, v8  }
0x66: {  	v44 =	vld.idx.msk [tilespmem:v9+s2+$0x0], $0xffff;
	v9 =	vor.u32 $0x29, v8;
	vm0 =	vgt.f32 v17, v0;
	vm7 =	vgt.f32 v6, v7  }
0x67: {  	v0 =	vsel vm0, v17, v0;
	v1 =	vsel vm0, $0xC, v1;
	[tilespmem:$0x1FC10] =	vst v7;
	v7 =	vsel vm7, v6, v7  }
0x68: {  	[tilespmem:$0x1FBF0] =	vst v6;
	v6 =	vimm.s32 $0x0;
	vm1 =	vnez.u8 v5;
	v5 =	vimm.s32 $0x0  }
0x69: {  	[tilespmem:$0x1FB20] =	vst v63;
	v0 =	vsel vm1, v37, v0;
	v5 =	vsel vm7, $0xFFFFFFFF, v5;
	v1 =	vsel vm1, v16, v1  }
0x6a: {  	[tilespmem:$0x1FB60] =	vst v18;
	v36 =	vsel vm1, $0xC, v16;
	v37 =	vor.u32 $0x2A, v8;
	vm7 =	vgt.f32 v39, v7  }
0x6b: {  	v16 =	vor.u32 $0x2B, v8;
	[tilespmem:$0x1FC00] =	vst v5;
	v5 =	vld.idx.msk [tilespmem:v47+s2+$0x0], $0xffff;
	vm0 =	vgt.f32 v18, v0;
	v6 =	vsel vm7, $0xFFFFFFFF, v6  }
0x6c: {  	v47 =	vld.idx.msk [tilespmem:v2+s2+$0x0], $0xffff;
	v2 =	vimm.s32 $0x0;
	[tilespmem:$0x1FC40] =	vst v6;
	v0 =	vsel vm0, v18, v0;
	v6 =	vsel vm7, v39, v7  }
0x6d: {  	[tilespmem:$0x1FB50] =	vst v17;
	v1 =	vsel vm0, $0xD, v1;
	v18 =	vor.u32 $0x2C, v8;
	vm7 =	vgt.f32 v44, v6  }
0x6e: {  	[tilespmem:$0x1FB80] =	vst v20;
	v0 =	vsel vm9, v35, v0;
	v2 =	vsel vm7, $0xFFFFFFFF, v2;
	v17 =	vsel vm7, v44, v6  }
0x6f: {  	vm7 =	vgt.f32 v20, v0;
	[tilespmem:$0x1FC60] =	vst v2;
	v2 =	vsel vm9, v36, v1;
	v1 =	vsel vm9, $0xD, v36;
	v36 =	vld.idx.msk [tilespmem:v9+s2+$0x0], $0xffff  }
0x70: {  	[tilespmem:$0x1FC50] =	vst v7;
	v0 =	vsel vm7, v20, v0;
	v35 =	vld.idx.msk [tilespmem:v16+s2+$0x0], $0xffff;
	v16 =	vor.u32 $0x2E, v8;
	vm9 =	vgt.f32 v5, v17  }
0x71: {  	[tilespmem:$0x1FC70] =	vst v6;
	v7 =	vld.idx.msk [tilespmem:v37+s2+$0x0], $0xffff;
	v2 =	vsel vm7, $0xE, v2;
	v9 =	vsel vm10, v38, v0;
	v6 =	vsel vm9, v5, v17  }
0x72: {  	[tilespmem:$0x1FC80] =	vst v5;
	v0 =	vor.u32 $0x2D, v8;
	v5 =	vimm.s32 $0x0;
	vm7 =	vgt.f32 v47, v6  }
0x73: {  	[tilespmem:$0x1FC90] =	vst v17;
	v2 =	vsel vm10, v1, v2;
	v1 =	vsel vm10, $0xE, v1;
	v5 =	vsel vm7, $0xFFFFFFFF, v5  }
0x74: {  	v63 =	vld.idx.msk [tilespmem:v18+s2+$0x0], $0xffff;
	v17 =	vor.u32 $0x2F, v8;
	v18 =	vor.u32 $0x31, v8;
	[tilespmem:$0x1FCA0] =	vst v5;
	v5 =	vsel vm7, v47, v6  }
0x75: {  	[tilespmem:$0x1FCB0] =	vst v6;
	vm7 =	vgt.f32 v21, v9;
	v6 =	vimm.s32 $0x0;
	vm10 =	vgt.f32 v36, v5  }
0x76: {  	[tilespmem:$0x1FCE0] =	vst v7;
	v37 =	vsel vm7, v21, v9;
	v2 =	vsel vm7, $0xF, v2;
	v6 =	vsel vm10, $0xFFFFFFFF, v6  }
0x77: {  	v37 =	vsel vm11, v58, v37;
	v2 =	vsel vm11, v1, v2;
	[tilespmem:$0x1FCC0] =	vst v6;
	v6 =	vsel vm10, v36, v5  }
0x78: {  	[tilespmem:$0x1FCD0] =	vst v5;
	v1 =	vsel vm11, $0xF, v1;
	v5 =	vimm.s32 $0x0;
	vm7 =	vgt.f32 v7, v6  }
0x79: {  	vm10 =	vgt.f32 v22, v37;
	[tilespmem:$0x1FD00] =	vst v6;
	v5 =	vsel vm7, $0xFFFFFFFF, v5;
	v6 =	vsel vm7, v7, v6  }
0x7a: {  	v37 =	vsel vm10, v22, v37;
	v7 =	vimm.s32 $0x0;
	[tilespmem:$0x1FCF0] =	vst v5;
	v5 =	vld.idx.msk [tilespmem:v0+s2+$0x0], $0xffff;
	vm11 =	vgt.f32 v35, v6  }
0x7b: {  	[tilespmem:$0x1FD20] =	vst v6;
	v0 =	vor.u32 $0x30, v8;
	v7 =	vsel vm11, $0xFFFFFFFF, v7;
	v6 =	vsel vm11, v35, v6  }
0x7c: {  	v38 =	vld.idx.msk [tilespmem:v16+s2+$0x0], $0xffff;
	v2 =	vsel vm10, $0x10, v2;
	[tilespmem:$0x1FD10] =	vst v7;
	vm7 =	vgt.f32 v63, v6;
	v7 =	vimm.s32 $0x0  }
0x7d: {  	[tilespmem:$0x1FBA0] =	vst v21;
	v4 =	vsel vm12, v4, v37;
	v2 =	vsel vm12, v1, v2;
	v7 =	vsel vm7, $0xFFFFFFFF, v7  }
0x7e: {  	v21 =	vor.u32 $0x32, v8;
	vm10 =	vgt.f32 v23, v4;
	v20 =	vsel vm7, v63, v6;
	[tilespmem:$0x1FD30] =	vst v7;
	v7 =	vld.idx.msk [tilespmem:v17+s2+$0x0], $0xffff  }
0x7f: {  	v1 =	vsel vm12, $0x10, v1;
	v4 =	vsel vm10, v23, v4;
	vm12 =	vgt.f32 v5, v20  }
0x80: {  	[tilespmem:$0x1FD40] =	vst v6;
	v6 =	vld.idx.msk [tilespmem:v0+s2+$0x0], $0xffff;
	v0 =	vsel vm13, v54, v4;
	v4 =	vor.u32 $0x33, v8;
	v9 =	vsel vm12, v5, v20  }
0x81: {  	[tilespmem:$0x1FBC0] =	vst v22;
	v2 =	vsel vm10, $0x11, v2;
	vm7 =	vgt.f32 v38, v9  }
0x82: {  	v2 =	vsel vm13, v1, v2;
	[tilespmem:$0x1FD50] =	vst v5;
	v5 =	vld.idx.msk [tilespmem:v18+s2+$0x0], $0xffff;
	v22 =	vsel vm7, v38, v9  }
0x83: {  	v1 =	vsel vm13, $0x11, v1;
	vm11 =	vgt.f32 v26, v0;
	vm13 =	vgt.f32 v7, v22  }
0x84: {  	v54 =	vld.idx.msk [tilespmem:v21+s2+$0x0], $0xffff;
	[tilespmem:$0x1FD70] =	vst v9;
	v0 =	vsel vm11, v26, v0;
	v9 =	vsel vm13, v7, v22  }
0x85: {  	[tilespmem:$0x1FBD0] =	vst v23;
	v2 =	vsel vm11, $0x12, v2;
	v58 =	vld.idx.msk [tilespmem:v4+s2+$0x0], $0xffff;
	v4 =	vor.u32 $0x36, v8;
	vm11 =	vgt.f32 v6, v9  }
0x86: {  	v23 =	vor.u32 $0x34, v8;
	[tilespmem:$0x1FD80] =	vst v7;
	v7 =	vsel vm11, v6, v9  }
0x87: {  	[tilespmem:$0x1FBE0] =	vst v26;
	v0 =	vsel vm14, v25, v0;
	v2 =	vsel vm14, v1, v2;
	vm10 =	vgt.f32 v5, v7  }
0x88: {  	v1 =	vsel vm14, $0x12, v1;
	vm14 =	vgt.f32 v28, v0;
	[tilespmem:$0x1FDA0] =	vst v6;
	v6 =	vsel vm10, v5, v7  }
0x89: {  	v0 =	vsel vm14, v28, v0;
	v2 =	vsel vm14, $0x13, v2;
	[tilespmem:$0x1FDC0] =	vst v5;
	vm14 =	vgt.f32 v54, v6  }
0x8a: {  	v26 =	vor.u32 $0x35, v8;
	[tilespmem:$0x1FDE0] =	vst v6;
	v5 =	vsel vm14, v54, v6;
	v6 =	vld.idx.msk [tilespmem:v4+s2+$0x0], $0xffff  }
0x8b: {  	v4 =	vld [tilespmem:$0x1FA40]  }
0x8c: {  	v37 =	vld.idx.msk [tilespmem:v23+s2+$0x0], $0xffff  }
0x8d: {  	v0 =	vsel vm15, v27, v0  }
0x8e: {  	v2 =	vsel vm15, v1, v2;
	vm0 =	vgt.f32 v29, v0  }
0x8f: {  	v1 =	vsel vm15, $0x13, v1;
	[tilespmem:$0x1FDD0] =	vst v7;
	v0 =	vsel vm0, v29, v0;
	v7 =	vld.idx.msk [tilespmem:v26+s2+$0x0], $0xffff;
	vm15 =	vgt.f32 v58, v5  }
0x90: {  	v23 =	vsel vm0, $0x14, v2;
	v2 =	vsel vm15, v58, v5;
	vm1 =	vnez.u8 v4  }
0x91: {  	vm0 =	vgt.f32 v37, v2;
	v0 =	vsel vm1, v3, v0;
	v3 =	vimm.s32 $0x0  }
0x92: {  	[tilespmem:$0x1FC20] =	vst v28;
	v3 =	vsel vm0, $0xFFFFFFFF, v3  }
0x93: {  	v25 =	vsel vm1, $0x14, v1;
	[tilespmem:$0x1FE10] =	vst v3;
	v3 =	vsel vm1, v1, v23;
	v1 =	vsel vm0, v37, v2  }
0x94: {  	[tilespmem:$0x1FC30] =	vst v29;
	v21 =	vor.u32 $0x37, v8;
	vm0 =	vgt.f32 v33, v0;
	vm1 =	vgt.f32 v7, v1  }
0x95: {  	[tilespmem:$0x1FE40] =	vst v1;
	v27 =	vsel vm0, v33, v0;
	v0 =	vsel vm1, v7, v1;
	v1 =	vld [tilespmem:$0x1FA50]  }
0x96: {  	[tilespmem:$0x1FD90] =	vst v22  }
0x97: {  	v22 =	vor.u32 $0x38, v8;
	[tilespmem:$0x1FDF0] =	vst v5  }
0x98: {  	[tilespmem:$0x1FE20] =	vst v2;
	v2 =	vimm.s32 $0x0  }
0x99: {  	v5 =	vor.u32 $0x39, v8;
	[tilespmem:$0x1FE30] =	vst v7;
	v4 =	vld.idx.msk [tilespmem:v21+s2+$0x0], $0xffff;
	v3 =	vsel vm0, $0x15, v3;
	v2 =	vsel vm1, $0xFFFFFFFF, v2  }
0x9a: {  	[tilespmem:$0x1FE50] =	vst v6;
	v7 =	vimm.s32 $0x0;
	vm0 =	vgt.f32 v6, v0;
	vm1 =	vnez.u8 v1  }
0x9b: {  	[tilespmem:$0x1FF90] =	vst v2;
	v7 =	vsel vm0, $0xFFFFFFFF, v7;
	v1 =	vsel vm1, v32, v27  }
0x9c: {  	v2 =	vld.idx.msk [tilespmem:v22+s2+$0x0], $0xffff;
	[tilespmem:$0x1FFA0] =	vst v7;
	v7 =	vsel vm0, v6, v0;
	vm0 =	vgt.f32 v43, v1  }
0x9d: {  	v26 =	vor.u32 $0x3A, v8;
	[tilespmem:$0x1FE60] =	vst v0;
	v0 =	vimm.s32 $0x0;
	v6 =	vsel vm0, v43, v1;
	v1 =	vld [tilespmem:$0x1FA60]  }
0x9e: {  	[tilespmem:$0x1FDB0] =	vst v9;
	v3 =	vsel vm1, v25, v3;
	v29 =	vsel vm1, $0x15, v25;
	vm1 =	vgt.f32 v4, v7  }
0x9f: {  	v28 =	vor.u32 $0x3B, v8;
	[tilespmem:$0x1FE00] =	vst v37;
	v5 =	vld.idx.msk [tilespmem:v5+s2+$0x0], $0xffff;
	v0 =	vsel vm1, $0xFFFFFFFF, v0  }
0xa0: {  	[tilespmem:$0x1FE90] =	vst v0;
	v0 =	vsel vm1, v4, v7  }
0xa1: {  	[tilespmem:$0x1FE70] =	vst v4;
	v3 =	vsel vm0, $0x16, v3;
	v4 =	vimm.s32 $0x0;
	vm0 =	vgt.f32 v2, v0  }
0xa2: {  	v37 =	vld.idx.msk [tilespmem:v26+s2+$0x0], $0xffff;
	[tilespmem:$0x1FEA0] =	vst v7;
	v7 =	vor.u32 $0x3D, v8;
	v4 =	vsel vm0, $0xFFFFFFFF, v4;
	vm1 =	vnez.u8 v1  }
0xa3: {  	[tilespmem:$0x1FED0] =	vst v0;
	v1 =	vsel vm1, v41, v6;
	v6 =	vsel vm1, v29, v3;
	v3 =	vsel vm0, v2, v0  }
0xa4: {  	v9 =	vld.idx.msk [tilespmem:v28+s2+$0x0], $0xffff;
	[tilespmem:$0x1FEC0] =	vst v4;
	v4 =	vsel vm1, $0x16, v29;
	v0 =	vimm.s32 $0x0;
	vm1 =	vgt.f32 v5, v3  }
0xa5: {  	vm0 =	vgt.f32 v49, v1;
	v0 =	vsel vm1, $0xFFFFFFFF, v0  }
0xa6: {  	[tilespmem:$0x1FEE0] =	vst v0;
	v0 =	vsel vm0, v49, v1;
	v1 =	vsel vm1, v5, v3  }
0xa7: {  	[tilespmem:$0x1FE80] =	vst v2;
	v2 =	vsel vm0, $0x17, v6;
	vm0 =	vgt.f32 v37, v1  }
0xa8: {  	v16 =	vld.idx.msk [tilespmem:v7+s2+$0x0], $0xffff;
	v2 =	vsel vm2, v4, v2;
	v7 =	vsel vm0, v37, v1  }
0xa9: {  	[tilespmem:$0x1FF10] =	vst v1;
	v1 =	vsel vm2, $0x17, v4;
	v4 =	vimm.s32 $0x0;
	vm1 =	vgt.f32 v9, v7  }
0xaa: {  	v4 =	vsel vm1, $0xFFFFFFFF, v4  }
0xab: {  	v32 =	vor.u32 $0x3C, v8;
	[tilespmem:$0x1FF20] =	vst v4;
	v4 =	vld [tilespmem:$0x1FA70];
	_ =	sdelay $0x2  }
0xac: {  	[tilespmem:$0x1FEB0] =	vst v5;
	v5 =	vimm.s32 $0x0;
	v0 =	vsel vm2, v45, v0  }
0xad: {  	v41 =	vor.u32 $0x3E, v8;
	v5 =	vsel vm0, $0xFFFFFFFF, v5;
	vm0 =	vgt.f32 v50, v0  }
0xae: {  	v17 =	vld.idx.msk [tilespmem:v32+s2+$0x0], $0xffff;
	v0 =	vsel vm0, v50, v0;
	vm2 =	vnez.u8 v4  }
0xaf: {  	[tilespmem:$0x1FEF0] =	vst v3;
	v3 =	vor.u32 $0x3F, v8;
	v0 =	vsel vm2, v48, v0;
	v48 =	vld [tilespmem:$0x1FA80];
	_ =	sdelay $0x1  }
0xb0: {  	v6 =	vmov v9  }
0xb1: {  	v2 =	vsel vm0, $0x18, v2;
	v9 =	vld.idx.msk [tilespmem:v41+s2+$0x0], $0xffff;
	v4 =	vsel vm1, v6, v7  }
0xb2: {  	[tilespmem:$0x1FF30] =	vst v7;
	v2 =	vsel vm2, v1, v2;
	vm1 =	vgt.f32 v17, v4  }
0xb3: {  	v7 =	vld.idx.msk [tilespmem:v3+s2+$0x0], $0xffff;
	[tilespmem:$0x1FF50] =	vst v4;
	v3 =	vsel vm1, v17, v4;
	v4 =	vimm.s32 $0x0;
	vm0 =	vgt.f32 v48, v0  }
0xb4: {  	[tilespmem:$0x1FF00] =	vst v5;
	v0 =	vsel vm0, v48, v0;
	v2 =	vsel vm0, $0x19, v2;
	vm0 =	vgt.f32 v16, v3  }
0xb5: {  	v5 =	vimm.s32 $0x0;
	[tilespmem:$0x1FF80] =	vst v3;
	v4 =	vsel vm0, $0xFFFFFFFF, v4;
	v3 =	vsel vm0, v16, v3  }
0xb6: {  	v5 =	vsel vm1, $0xFFFFFFFF, v5;
	[tilespmem:$0x1FF70] =	vst v4;
	vm1 =	vgt.f32 v9, v3;
	v4 =	vimm.s32 $0x0  }
0xb7: {  	v4 =	vsel vm1, $0xFFFFFFFF, v4  }
0xb8: {  	[tilespmem:$0x1FFB0] =	vst v4;
	v4 =	vld [tilespmem:$0x1FA90];
	_ =	sdelay $0x4  }
0xb9: {  	v1 =	vsel vm2, $0x18, v1;
	vm2 =	vnez.u8 v4;
	v4 =	vsel vm1, v9, v3  }
0xba: {  	[tilespmem:$0x1FFC0] =	vst v3;
	v3 =	vimm.s32 $0x0;
	vm1 =	vgt.f32 v7, v4  }
0xbb: {  	v3 =	vsel vm1, $0xFFFFFFFF, v3  }
0xbc: {  	v0 =	vsel vm3, v10, v0;
	[tilespmem:$0x1FFD0] =	vst v3;
	v3 =	vld [tilespmem:$0x1FAA0]  }
0xbd: {  	v2 =	vsel vm3, v1, v2;
	vm0 =	vgt.f32 v51, v0  }
0xbe: {  	v1 =	vsel vm3, $0x19, v1;
	v0 =	vsel vm0, v51, v0;
	v2 =	vsel vm0, $0x1A, v2  }
0xbf: {  	[tilespmem:$0x1FF40] =	vst v5;
	v5 =	vld [tilespmem:$0x1FAB0];
	v0 =	vsel vm2, v11, v0;
	v2 =	vsel vm2, v1, v2  }
0xc0: {  	v1 =	vsel vm2, $0x1A, v1;
	vm0 =	vgt.f32 v52, v0;
	v8 =	vsel vm1, v7, v4  }
0xc1: {  	v0 =	vsel vm0, v52, v0;
	v2 =	vsel vm0, $0x1B, v2;
	v3 =	vsub.f32 v3, v8  }
0xc2: {  	[tilespmem:$0x1FFE0] =	vst v4;
	v4 =	vsub.f32 v31, v8;
	v0 =	vsel vm4, v12, v0;
	v2 =	vsel vm4, v1, v2  }
0xc3: {  	v1 =	vsel vm4, $0x1B, v1;
	vm4 =	vgt.f32 v53, v0;
	v3 =	vmul.f32 $1.442695020e+00, v3  }
0xc4: {  	v0 =	vsel vm4, v53, v0;
	v2 =	vsel vm4, $0x1C, v2;
	vm4 =	vnez.u8 v5  }
0xc5: {  	v5 =	vsub.f32 v56, v8;
	(erf) = vpow2.f32 v3;
	v3 =	vmul.f32 $1.442695020e+00, v4;
	_ =	sdelay $0x1  }
0xc6: {  	v4 =	vmul.f32 $1.442695020e+00, v5;
	(erf) = vpow2.f32 v3;
	v3 =	vsub.f32 v59, v8;
	_ =	sdelay $0x1  }
0xc7: {  	(erf) = vpow2.f32 v4;
	v4 =	vsub.f32 v60, v8;
	v3 =	vmul.f32 $1.442695020e+00, v3;
	_ =	sdelay $0x1  }
0xc8: {  	(erf) = vpow2.f32 v3;
	v3 =	vmul.f32 $1.442695020e+00, v4;
	v4 =	vld [tilespmem:$0x1FAC0];
	_ =	sdelay $0x3  }
0xc9: {  	[tilespmem:$0x1FD60] =	vst v20;
	v20 =	vmov v6;
	v6 =	vld [tilespmem:$0x1FAD0]  }
0xca: {  	vm3 =	vnez.u8 v4;
	v4 =	vsub.f32 v61, v8;
	_ =	sdelay $0x1  }
0xcb: {  	(erf) = vpow2.f32 v3;
	v3 =	vmul.f32 $1.442695020e+00, v4;
	v4 =	vsub.f32 v62, v8;
	_ =	sdelay $0x1  }
0xcc: {  	v6 =	vsub.f32 v6, v8;
	v5 =	vpop (erf)  }
0xcd: {  	v5 =	vadd.f32 $0.0e+00, v5;
	(erf) = vpow2.f32 v3;
	v3 =	vmul.f32 $1.442695020e+00, v4  }
0xce: {  	v4 =	vpop (erf)  }
0xcf: {  	(erf) = vpow2.f32 v3;
	v3 =	vld [tilespmem:$0x1FAE0];
	v4 =	vadd.f32 v5, v4;
	v5 =	vmul.f32 $1.442695020e+00, v6;
	_ =	sdelay $0x1  }
0xd0: {  	v6 =	vpop (erf);
	(erf) = vpow2.f32 v5;
	v5 =	vld [tilespmem:$0x1FB00];
	_ =	sdelay $0x2  }
0xd1: {  	v3 =	vsub.f32 v3, v8;
	_ =	sdelay $0x1  }
0xd2: {  	v3 =	vmul.f32 $1.442695020e+00, v3;
	v5 =	vsub.f32 v5, v8;
	_ =	sdelay $0x1  }
0xd3: {  	v4 =	vadd.f32 v4, v6;
	v6 =	vpop (erf);
	(erf) = vpow2.f32 v3;
	v3 =	vmul.f32 $1.442695020e+00, v5;
	v5 =	vld [tilespmem:$0x1FB20];
	_ =	sdelay $0x4  }
0xd4: {  	v5 =	vsub.f32 v5, v8;
	_ =	sdelay $0x1  }
0xd5: {  	v4 =	vadd.f32 v4, v6;
	v6 =	vpop (erf);
	(erf) = vpow2.f32 v3;
	v3 =	vmul.f32 $1.442695020e+00, v5;
	v5 =	vld [tilespmem:$0x1FB30];
	_ =	sdelay $0x4  }
0xd6: {  	v5 =	vsub.f32 v5, v8  }
0xd7: {  	v0 =	vsel vm4, v13, v0;
	v4 =	vadd.f32 v4, v6  }
0xd8: {  	v2 =	vsel vm4, v1, v2;
	v6 =	vpop (erf);
	(erf) = vpow2.f32 v3;
	v3 =	vmul.f32 $1.442695020e+00, v5;
	v5 =	vld [tilespmem:$0x1FB50]  }
0xd9: {  	v1 =	vsel vm4, $0x1C, v1;
	vm4 =	vgt.f32 v55, v0;
	v4 =	vadd.f32 v4, v6  }
0xda: {  	v0 =	vsel vm4, v55, v0;
	v6 =	vpop (erf)  }
0xdb: {  	v0 =	vsel vm5, v14, v0;
	v4 =	vadd.f32 v4, v6;
	v6 =	vld [tilespmem:$0x1FB60]  }
0xdc: {  	v2 =	vsel vm4, $0x1D, v2;
	vm4 =	vgt.f32 v57, v0  }
0xdd: {  	v2 =	vsel vm5, v1, v2;
	v0 =	vsel vm4, v57, v0;
	v5 =	vsub.f32 v5, v8  }
0xde: {  	v1 =	vsel vm5, $0x1D, v1;
	v2 =	vsel vm4, $0x1E, v2;
	v0 =	vsel vm3, v15, v0  }
0xdf: {  	v59 =	vld [tilespmem:$0x1FAF0];
	v2 =	vsel vm3, v1, v2;
	vm5 =	vgt.f32 v42, v0  }
0xe0: {  	v60 =	vld [tilespmem:$0x1FB10];
	v6 =	vsub.f32 v6, v8;
	(erf) = vpow2.f32 v3;
	v3 =	vmul.f32 $1.442695020e+00, v5  }
0xe1: {  	v1 =	vsel vm3, $0x1E, v1;
	v0 =	vsel vm5, v42, v0;
	v2 =	vsel vm5, $0x1F, v2;
	v5 =	vpop (erf)  }
0xe2: {  	(erf) = vpow2.f32 v3;
	v3 =	vld [tilespmem:$0x1FB80];
	v4 =	vadd.f32 v4, v5;
	v5 =	vmul.f32 $1.442695020e+00, v6  }
0xe3: {  	v61 =	vld [tilespmem:$0x1FB40];
	v0 =	vsel vm6, v19, v0;
	v2 =	vsel vm6, v1, v2  }
0xe4: {  	v1 =	vsel vm6, $0x1F, v1;
	vm6 =	vgt.f32 v59, v0;
	v6 =	vpop (erf);
	(erf) = vpow2.f32 v5;
	v5 =	vld [tilespmem:$0x1FBA0]  }
0xe5: {  	vm2 =	vnez.u8 v60;
	v62 =	vld [tilespmem:$0x1FB70];
	v0 =	vsel vm6, v59, v0;
	v2 =	vsel vm6, $0x20, v2  }
0xe6: {  	v0 =	vsel vm2, v24, v0;
	v2 =	vsel vm2, v1, v2  }
0xe7: {  	v1 =	vsel vm2, $0x20, v1;
	v24 =	vld [tilespmem:$0x1FB90];
	vm6 =	vgt.f32 v40, v0;
	v3 =	vsub.f32 v3, v8  }
0xe8: {  	vm2 =	vnez.u8 v61;
	v0 =	vsel vm6, v40, v0;
	v2 =	vsel vm6, $0x21, v2  }
0xe9: {  	v0 =	vsel vm2, v30, v0;
	v3 =	vmul.f32 $1.442695020e+00, v3;
	v5 =	vsub.f32 v5, v8  }
0xea: {  	v2 =	vsel vm2, v1, v2;
	vm6 =	vgt.f32 v62, v0  }
0xeb: {  	v4 =	vadd.f32 v4, v6;
	v6 =	vpop (erf);
	(erf) = vpow2.f32 v3;
	v3 =	vmul.f32 $1.442695020e+00, v5;
	v5 =	vld [tilespmem:$0x1FBB0]  }
0xec: {  	v1 =	vsel vm2, $0x21, v1;
	v0 =	vsel vm6, v62, v0;
	vm2 =	vnez.u8 v24  }
0xed: {  	v0 =	vsel vm2, v34, v0  }
0xee: {  	vm5 =	vgt.f32 v46, v0  }
0xef: {  	v0 =	vsel vm5, v46, v0  }
0xf0: {  	v0 =	vsel vm8, v5, v0;
	v5 =	vld [tilespmem:$0x1FBC0];
	_ =	sdelay $0x4  }
0xf1: {  	v5 =	vsub.f32 v5, v8  }
0xf2: {  	v4 =	vadd.f32 v4, v6  }
0xf3: {  	v6 =	vpop (erf);
	(erf) = vpow2.f32 v3;
	v3 =	vmul.f32 $1.442695020e+00, v5;
	v5 =	vld [tilespmem:$0x1FBD0]  }
0xf4: {  	v4 =	vadd.f32 v4, v6  }
0xf5: {  	v6 =	vpop (erf)  }
0xf6: {  	v4 =	vadd.f32 v4, v6;
	v6 =	vld [tilespmem:$0x1FBE0];
	_ =	sdelay $0x1  }
0xf7: {  	v5 =	vsub.f32 v5, v8;
	_ =	sdelay $0x2  }
0xf8: {  	v6 =	vsub.f32 v6, v8  }
0xf9: {  	(erf) = vpow2.f32 v3;
	v3 =	vmul.f32 $1.442695020e+00, v5;
	v5 =	vpop (erf)  }
0xfa: {  	v4 =	vadd.f32 v4, v5;
	v5 =	vmul.f32 $1.442695020e+00, v6;
	v6 =	vld [tilespmem:$0x1FC00];
	_ =	sdelay $0x1  }
0xfb: {  	v2 =	vsel vm6, $0x22, v2  }
0xfc: {  	v25 =	vld [tilespmem:$0x1FBF0];
	v2 =	vsel vm2, v1, v2  }
0xfd: {  	v1 =	vsel vm2, $0x22, v1;
	v2 =	vsel vm5, $0x23, v2  }
0xfe: {  	v2 =	vsel vm8, v1, v2;
	v1 =	vsel vm8, $0x23, v1;
	vm8 =	vnez.u8 v6;
	v6 =	vld [tilespmem:$0x1FC10];
	_ =	sdelay $0x2  }
0xff: {  	vm6 =	vgt.f32 v25, v0  }
0x100: {  	v0 =	vsel vm6, v25, v0  }
0x101: {  	v0 =	vsel vm8, v6, v0;
	v6 =	vpop (erf)  }
0x102: {  	(erf) = vpow2.f32 v3;
	v3 =	vld [tilespmem:$0x1FC20];
	v4 =	vadd.f32 v4, v6  }
0x103: {  	(erf) = vpow2.f32 v5;
	v5 =	vld [tilespmem:$0x1FC30];
	v6 =	vpop (erf)  }
0x104: {  	v4 =	vadd.f32 v4, v6;
	v6 =	vld [tilespmem:$0x1FC40];
	_ =	sdelay $0x3  }
0x105: {  	v3 =	vsub.f32 v3, v8;
	v5 =	vsub.f32 v5, v8  }
0x106: {  	vm4 =	vnez.u8 v6;
	v6 =	vld [tilespmem:$0x1FC50]  }
0x107: {  	v3 =	vmul.f32 $1.442695020e+00, v3  }
0x108: {  	v2 =	vsel vm6, $0x24, v2  }
0x109: {  	vm6 =	vgt.f32 v39, v0;
	(erf) = vpow2.f32 v3;
	v3 =	vmul.f32 $1.442695020e+00, v5;
	v5 =	vpop (erf)  }
0x10a: {  	v0 =	vsel vm6, v39, v0;
	v4 =	vadd.f32 v4, v5;
	v5 =	vsub.f32 v33, v8  }
0x10b: {  	v0 =	vsel vm4, v6, v0;
	v6 =	vld [tilespmem:$0x1FC60];
	_ =	sdelay $0x1  }
0x10c: {  	(erf) = vpow2.f32 v3;
	v3 =	vmul.f32 $1.442695020e+00, v5  }
0x10d: {  	v5 =	vpop (erf)  }
0x10e: {  	(erf) = vpow2.f32 v3;
	v3 =	vsub.f32 v43, v8;
	v4 =	vadd.f32 v4, v5  }
0x10f: {  	v5 =	vpop (erf);
	vm2 =	vnez.u8 v6;
	v6 =	vld [tilespmem:$0x1FC70]  }
0x110: {  	v3 =	vmul.f32 $1.442695020e+00, v3;
	v4 =	vadd.f32 v4, v5;
	v5 =	vsub.f32 v49, v8  }
0x111: {  	v2 =	vsel vm8, v1, v2;
	v1 =	vsel vm8, $0x24, v1  }
0x112: {  	vm8 =	vgt.f32 v44, v0;
	(erf) = vpow2.f32 v3;
	v3 =	vmul.f32 $1.442695020e+00, v5  }
0x113: {  	v0 =	vsel vm8, v44, v0;
	v5 =	vsub.f32 v50, v8  }
0x114: {  	v26 =	vld [tilespmem:$0x1FC80];
	v0 =	vsel vm2, v6, v0;
	v6 =	vpop (erf);
	(erf) = vpow2.f32 v3  }
0x115: {  	v3 =	vmul.f32 $1.442695020e+00, v5;
	v5 =	vsub.f32 v48, v8;
	v4 =	vadd.f32 v4, v6  }
0x116: {  	v27 =	vld [tilespmem:$0x1FC90];
	v2 =	vsel vm6, $0x25, v2;
	v6 =	vpop (erf)  }
0x117: {  	v4 =	vadd.f32 v4, v6;
	v6 =	vpop (erf);
	(erf) = vpow2.f32 v3;
	v3 =	vmul.f32 $1.442695020e+00, v5;
	v5 =	vld [tilespmem:$0x1FCA0]  }
0x118: {  	v2 =	vsel vm4, v1, v2  }
0x119: {  	v1 =	vsel vm4, $0x25, v1;
	v2 =	vsel vm8, $0x26, v2;
	vm6 =	vgt.f32 v26, v0  }
0x11a: {  	v2 =	vsel vm2, v1, v2;
	v0 =	vsel vm6, v26, v0  }
0x11b: {  	v1 =	vsel vm2, $0x26, v1;
	v2 =	vsel vm6, $0x27, v2;
	v0 =	vsel vm9, v27, v0  }
0x11c: {  	v2 =	vsel vm9, v1, v2;
	v1 =	vsel vm9, $0x27, v1;
	vm9 =	vnez.u8 v5;
	v5 =	vld [tilespmem:$0x1FCB0]  }
0x11d: {  	v4 =	vadd.f32 v4, v6;
	v6 =	vsub.f32 v51, v8;
	_ =	sdelay $0x1  }
0x11e: {  	vm8 =	vgt.f32 v47, v0  }
0x11f: {  	v0 =	vsel vm8, v47, v0  }
0x120: {  	v0 =	vsel vm9, v5, v0;
	v5 =	vmul.f32 $1.442695020e+00, v6;
	v6 =	vpop (erf)  }
0x121: {  	v4 =	vadd.f32 v4, v6;
	v6 =	vld [tilespmem:$0x1FCC0];
	_ =	sdelay $0x4  }
0x122: {  	v2 =	vsel vm8, $0x28, v2;
	vm8 =	vnez.u8 v6;
	v6 =	vld [tilespmem:$0x1FCD0]  }
0x123: {  	(erf) = vpow2.f32 v3;
	v3 =	vsub.f32 v52, v8;
	_ =	sdelay $0x1  }
0x124: {  	vm6 =	vgt.f32 v36, v0;
	v3 =	vmul.f32 $1.442695020e+00, v3  }
0x125: {  	(erf) = vpow2.f32 v5;
	v0 =	vsel vm6, v36, v0;
	v5 =	vsub.f32 v53, v8  }
0x126: {  	v0 =	vsel vm8, v6, v0;
	v6 =	vpop (erf);
	(erf) = vpow2.f32 v3  }
0x127: {  	v3 =	vmul.f32 $1.442695020e+00, v5;
	v5 =	vsub.f32 v55, v8;
	v4 =	vadd.f32 v4, v6  }
0x128: {  	v6 =	vpop (erf)  }
0x129: {  	v5 =	vmul.f32 $1.442695020e+00, v5;
	v4 =	vadd.f32 v4, v6;
	v6 =	vsub.f32 v57, v8  }
0x12a: {  	(erf) = vpow2.f32 v3  }
0x12b: {  	v3 =	vpop (erf);
	(erf) = vpow2.f32 v5;
	v5 =	vmul.f32 $1.442695020e+00, v6;
	v6 =	vsub.f32 v42, v8  }
0x12c: {  	v3 =	vadd.f32 v4, v3  }
0x12d: {  	v4 =	vpop (erf);
	(erf) = vpow2.f32 v5;
	v5 =	vmul.f32 $1.442695020e+00, v6  }
0x12e: {  	v3 =	vadd.f32 v3, v4  }
0x12f: {  	v4 =	vpop (erf)  }
0x130: {  	v3 =	vadd.f32 v3, v4  }
0x131: {  	v28 =	vld [tilespmem:$0x1FCE0];
	(erf) = vpow2.f32 v5;
	v5 =	vpop (erf)  }
0x132: {  	v3 =	vadd.f32 v3, v5;
	v5 =	vld [tilespmem:$0x1FD10]  }
0x133: {  	v29 =	vld [tilespmem:$0x1FCF0]  }
0x134: {  	v30 =	vld [tilespmem:$0x1FD00]  }
0x135: {  	v2 =	vsel vm9, v1, v2  }
0x136: {  	v1 =	vsel vm9, $0x28, v1;
	v2 =	vsel vm6, $0x29, v2  }
0x137: {  	vm9 =	vgt.f32 v28, v0;
	v6 =	vsub.f32 v59, v8;
	vm6 =	vnez.u8 v5;
	v5 =	vld [tilespmem:$0x1FD20]  }
0x138: {  	vm2 =	vnez.u8 v29;
	v0 =	vsel vm9, v28, v0;
	v4 =	vsub.f32 v40, v8  }
0x139: {  	v0 =	vsel vm2, v30, v0;
	v6 =	vmul.f32 $1.442695020e+00, v6  }
0x13a: {  	vm5 =	vgt.f32 v35, v0;
	v4 =	vmul.f32 $1.442695020e+00, v4  }
0x13b: {  	v0 =	vsel vm5, v35, v0;
	(erf) = vpow2.f32 v6;
	v6 =	vsub.f32 v62, v8  }
0x13c: {  	v0 =	vsel vm6, v5, v0;
	v5 =	vpop (erf);
	(erf) = vpow2.f32 v4  }
0x13d: {  	v4 =	vmul.f32 $1.442695020e+00, v6;
	v3 =	vadd.f32 v3, v5;
	v5 =	vsub.f32 v46, v8;
	_ =	sdelay $0x1  }
0x13e: {  	v6 =	vpop (erf);
	(erf) = vpow2.f32 v4;
	v4 =	vmul.f32 $1.442695020e+00, v5;
	v5 =	vld [tilespmem:$0x1FD30];
	_ =	sdelay $0x4  }
0x13f: {  	vm4 =	vnez.u8 v5;
	v5 =	vld [tilespmem:$0x1FD40];
	_ =	sdelay $0x2  }
0x140: {  	v2 =	vsel vm8, v1, v2;
	v1 =	vsel vm8, $0x29, v1;
	vm8 =	vgt.f32 v63, v0  }
0x141: {  	v0 =	vsel vm8, v63, v0;
	v3 =	vadd.f32 v3, v6;
	v6 =	vsub.f32 v25, v8  }
0x142: {  	v0 =	vsel vm4, v5, v0;
	v5 =	vpop (erf)  }
0x143: {  	v3 =	vadd.f32 v3, v5;
	v5 =	vmul.f32 $1.442695020e+00, v6  }
0x144: {  	(erf) = vpow2.f32 v4;
	v4 =	vpop (erf);
	v6 =	vsub.f32 v39, v8  }
0x145: {  	v3 =	vadd.f32 v3, v4;
	v4 =	vsub.f32 v44, v8  }
0x146: {  	(erf) = vpow2.f32 v5  }
0x147: {  	v6 =	vmul.f32 $1.442695020e+00, v6;
	v5 =	vpop (erf);
	v4 =	vmul.f32 $1.442695020e+00, v4  }
0x148: {  	v3 =	vadd.f32 v3, v5  }
0x149: {  	v31 =	vld [tilespmem:$0x1FD50];
	(erf) = vpow2.f32 v6;
	v6 =	vsub.f32 v26, v8;
	v5 =	vpop (erf)  }
0x14a: {  	v2 =	vsel vm9, $0x2A, v2;
	v3 =	vadd.f32 v3, v5  }
0x14b: {  	v32 =	vld [tilespmem:$0x1FD60];
	(erf) = vpow2.f32 v4;
	v5 =	vmul.f32 $1.442695020e+00, v6;
	v6 =	vsub.f32 v47, v8;
	v4 =	vpop (erf)  }
0x14c: {  	v2 =	vsel vm2, v1, v2;
	v3 =	vadd.f32 v3, v4  }
0x14d: {  	(erf) = vpow2.f32 v5;
	v5 =	vmul.f32 $1.442695020e+00, v6;
	v6 =	vsub.f32 v36, v8  }
0x14e: {  	v33 =	vld [tilespmem:$0x1FD70];
	v1 =	vsel vm2, $0x2A, v1;
	v2 =	vsel vm5, $0x2B, v2;
	vm5 =	vgt.f32 v31, v0;
	v4 =	vpop (erf)  }
0x14f: {  	v34 =	vld [tilespmem:$0x1FD80];
	v0 =	vsel vm5, v31, v0;
	v3 =	vadd.f32 v3, v4;
	v4 =	vmul.f32 $1.442695020e+00, v6  }
0x150: {  	v2 =	vsel vm6, v1, v2;
	v0 =	vsel vm12, v32, v0;
	(erf) = vpow2.f32 v5  }
0x151: {  	v1 =	vsel vm6, $0x2B, v1;
	vm6 =	vgt.f32 v38, v0;
	v5 =	vpop (erf);
	(erf) = vpow2.f32 v4;
	v4 =	vld [tilespmem:$0x1FD90]  }
0x152: {  	v0 =	vsel vm6, v38, v0;
	v6 =	vsub.f32 v28, v8  }
0x153: {  	v2 =	vsel vm8, $0x2C, v2;
	v0 =	vsel vm7, v33, v0  }
0x154: {  	vm8 =	vgt.f32 v34, v0;
	v3 =	vadd.f32 v3, v5;
	v5 =	vmul.f32 $1.442695020e+00, v6  }
0x155: {  	v0 =	vsel vm8, v34, v0;
	v6 =	vsub.f32 v35, v8  }
0x156: {  	v2 =	vsel vm4, v1, v2;
	v0 =	vsel vm13, v4, v0;
	v4 =	vpop (erf)  }
0x157: {  	v1 =	vsel vm4, $0x2C, v1;
	v6 =	vmul.f32 $1.442695020e+00, v6;
	v3 =	vadd.f32 v3, v4  }
0x158: {  	v2 =	vsel vm5, $0x2D, v2;
	v35 =	vld [tilespmem:$0x1FDA0];
	(erf) = vpow2.f32 v5;
	v4 =	vsub.f32 v63, v8;
	v5 =	vpop (erf)  }
0x159: {  	(erf) = vpow2.f32 v6;
	v6 =	vsub.f32 v31, v8;
	v3 =	vadd.f32 v3, v5  }
0x15a: {  	v2 =	vsel vm12, v1, v2;
	v36 =	vld [tilespmem:$0x1FDB0];
	v4 =	vmul.f32 $1.442695020e+00, v4;
	v5 =	vpop (erf)  }
0x15b: {  	v3 =	vadd.f32 v3, v5;
	v5 =	vmul.f32 $1.442695020e+00, v6;
	v6 =	vsub.f32 v38, v8;
	v38 =	vld [tilespmem:$0x1FDC0]  }
0x15c: {  	v1 =	vsel vm12, $0x2D, v1;
	v2 =	vsel vm6, $0x2E, v2  }
0x15d: {  	v2 =	vsel vm7, v1, v2;
	vm9 =	vgt.f32 v35, v0;
	(erf) = vpow2.f32 v4  }
0x15e: {  	v0 =	vsel vm9, v35, v0;
	v4 =	vpop (erf);
	(erf) = vpow2.f32 v5;
	v5 =	vmul.f32 $1.442695020e+00, v6  }
0x15f: {  	v39 =	vld [tilespmem:$0x1FDD0];
	v0 =	vsel vm11, v36, v0;
	v6 =	vsub.f32 v34, v8;
	v3 =	vadd.f32 v3, v4  }
0x160: {  	v1 =	vsel vm7, $0x2E, v1;
	v2 =	vsel vm8, $0x2F, v2;
	v4 =	vpop (erf);
	vm12 =	vgt.f32 v38, v0  }
0x161: {  	v3 =	vadd.f32 v3, v4;
	v4 =	vmul.f32 $1.442695020e+00, v6;
	v6 =	vsub.f32 v35, v8  }
0x162: {  	v2 =	vsel vm13, v1, v2;
	(erf) = vpow2.f32 v5;
	v0 =	vsel vm12, v38, v0;
	v5 =	vpop (erf)  }
0x163: {  	v3 =	vadd.f32 v3, v5;
	v5 =	vmul.f32 $1.442695020e+00, v6;
	v6 =	vsub.f32 v38, v8  }
0x164: {  	v40 =	vld [tilespmem:$0x1FDE0];
	v2 =	vsel vm9, $0x30, v2;
	v0 =	vsel vm10, v39, v0  }
0x165: {  	(erf) = vpow2.f32 v4;
	vm9 =	vgt.f32 v54, v0;
	v4 =	vpop (erf);
	v6 =	vmul.f32 $1.442695020e+00, v6  }
0x166: {  	v42 =	vld [tilespmem:$0x1FE00];
	(erf) = vpow2.f32 v5;
	v3 =	vadd.f32 v3, v4;
	v4 =	vsub.f32 v54, v8  }
0x167: {  	v41 =	vld [tilespmem:$0x1FDF0];
	v0 =	vsel vm9, v54, v0;
	v5 =	vpop (erf);
	(erf) = vpow2.f32 v6  }
0x168: {  	v45 =	vld [tilespmem:$0x1FE30];
	v6 =	vsub.f32 v58, v8;
	v3 =	vadd.f32 v3, v5;
	v4 =	vmul.f32 $1.442695020e+00, v4  }
0x169: {  	v43 =	vld [tilespmem:$0x1FE10];
	v0 =	vsel vm14, v40, v0;
	v5 =	vpop (erf)  }
0x16a: {  	vm3 =	vgt.f32 v58, v0;
	v3 =	vadd.f32 v3, v5;
	v5 =	vmul.f32 $1.442695020e+00, v6  }
0x16b: {  	v44 =	vld [tilespmem:$0x1FE20];
	v0 =	vsel vm3, v58, v0;
	(erf) = vpow2.f32 v4;
	v6 =	vsub.f32 v42, v8  }
0x16c: {  	v0 =	vsel vm15, v41, v0;
	v4 =	vpop (erf);
	(erf) = vpow2.f32 v5  }
0x16d: {  	v47 =	vld [tilespmem:$0x1FF90];
	v5 =	vmul.f32 $1.442695020e+00, v6;
	v6 =	vsub.f32 v45, v8;
	v3 =	vadd.f32 v3, v4  }
0x16e: {  	vm0 =	vnez.u8 v43;
	v48 =	vld [tilespmem:$0x1FE40];
	vm5 =	vgt.f32 v42, v0;
	v4 =	vpop (erf)  }
0x16f: {  	v0 =	vsel vm5, v42, v0;
	v3 =	vadd.f32 v3, v4;
	v4 =	vmul.f32 $1.442695020e+00, v6;
	v6 =	vld [tilespmem:$0x1FE50]  }
0x170: {  	v0 =	vsel vm0, v44, v0  }
0x171: {  	v1 =	vsel vm13, $0x2F, v1;
	vm13 =	vgt.f32 v45, v0  }
0x172: {  	vm4 =	vmmov vm14;
	vm14 =	vnez.u8 v47;
	v0 =	vsel vm13, v45, v0  }
0x173: {  	v52 =	vld [tilespmem:$0x1FE80];
	v0 =	vsel vm14, v48, v0  }
0x174: {  	v51 =	vld [tilespmem:$0x1FE70];
	vm1 =	vgt.f32 v6, v0  }
0x175: {  	(erf) = vpow2.f32 v5;
	v5 =	vpop (erf);
	v0 =	vsel vm1, v6, v0;
	v6 =	vsub.f32 v6, v8  }
0x176: {  	v3 =	vadd.f32 v3, v5  }
0x177: {  	(erf) = vpow2.f32 v4;
	v4 =	vpop (erf);
	v5 =	vmul.f32 $1.442695020e+00, v6  }
0x178: {  	v55 =	vld [tilespmem:$0x1FEB0];
	v3 =	vadd.f32 v3, v4;
	v4 =	vsub.f32 v52, v8  }
0x179: {  	v53 =	vld [tilespmem:$0x1FE90];
	v6 =	vsub.f32 v51, v8  }
0x17a: {  	v4 =	vmul.f32 $1.442695020e+00, v4  }
0x17b: {  	v49 =	vld [tilespmem:$0x1FFA0];
	(erf) = vpow2.f32 v5;
	v6 =	vmul.f32 $1.442695020e+00, v6;
	v5 =	vpop (erf)  }
0x17c: {  	v3 =	vadd.f32 v3, v5  }
0x17d: {  	v50 =	vld [tilespmem:$0x1FE60];
	(erf) = vpow2.f32 v6;
	v6 =	vsub.f32 v55, v8;
	v5 =	vpop (erf)  }
0x17e: {  	vm2 =	vnez.u8 v53;
	vm6 =	vmmov vm15;
	v3 =	vadd.f32 v3, v5  }
0x17f: {  	(erf) = vpow2.f32 v4;
	v4 =	vpop (erf);
	v5 =	vmul.f32 $1.442695020e+00, v6;
	v6 =	vsub.f32 v37, v8  }
0x180: {  	v2 =	vsel vm11, v1, v2;
	v54 =	vld [tilespmem:$0x1FEA0];
	vm15 =	vnez.u8 v49;
	v3 =	vadd.f32 v3, v4  }
0x181: {  	(erf) = vpow2.f32 v5;
	v5 =	vmul.f32 $1.442695020e+00, v6;
	v6 =	vsub.f32 v20, v8  }
0x182: {  	v1 =	vsel vm11, $0x30, v1;
	v2 =	vsel vm12, $0x31, v2;
	v0 =	vsel vm15, v50, v0;
	v4 =	vpop (erf)  }
0x183: {  	v56 =	vld [tilespmem:$0x1FEC0];
	vm15 =	vgt.f32 v51, v0;
	v3 =	vadd.f32 v3, v4;
	v4 =	vmul.f32 $1.442695020e+00, v6  }
0x184: {  	v46 =	vimm.s32 $0x0;
	v2 =	vsel vm10, v1, v2;
	v0 =	vsel vm15, v51, v0  }
0x185: {  	v57 =	vld [tilespmem:$0x1FED0];
	v0 =	vsel vm2, v54, v0;
	(erf) = vpow2.f32 v5;
	v6 =	vsub.f32 v17, v8;
	v5 =	vpop (erf)  }
0x186: {  	v10 =	vsel vm13, $0xFFFFFFFF, v46;
	vm14 =	vgt.f32 v52, v0;
	v3 =	vadd.f32 v3, v5  }
0x187: {  	v58 =	vld [tilespmem:$0x1FEE0];
	(erf) = vpow2.f32 v4;
	v5 =	vmul.f32 $1.442695020e+00, v6;
	v6 =	vsub.f32 v16, v8;
	v4 =	vpop (erf)  }
0x188: {  	v60 =	vld [tilespmem:$0x1FF00];
	vm13 =	vnez.u8 v56;
	v0 =	vsel vm14, v52, v0;
	v3 =	vadd.f32 v3, v4  }
0x189: {  	v59 =	vld [tilespmem:$0x1FEF0];
	v4 =	vpop (erf);
	(erf) = vpow2.f32 v5;
	v5 =	vmul.f32 $1.442695020e+00, v6;
	v6 =	vsub.f32 v9, v8  }
0x18a: {  	v1 =	vsel vm10, $0x31, v1;
	v0 =	vsel vm13, v57, v0;
	v3 =	vadd.f32 v3, v4  }
0x18b: {  	v4 =	vpop (erf);
	(erf) = vpow2.f32 v5;
	v5 =	vmul.f32 $1.442695020e+00, v6;
	v6 =	vsub.f32 v7, v8  }
0x18c: {  	v61 =	vld [tilespmem:$0x1FF10];
	v2 =	vsel vm9, $0x32, v2;
	vm11 =	vnez.u8 v58;
	vm12 =	vgt.f32 v55, v0  }
0x18d: {  	v0 =	vsel vm12, v55, v0;
	(erf) = vpow2.f32 v5;
	v5 =	vmul.f32 $1.442695020e+00, v6;
	v6 =	vld [tilespmem:$0x1FF40]  }
0x18e: {  	v62 =	vld [tilespmem:$0x1FF20];
	vm9 =	vnez.u8 v60;
	v2 =	vsel vm4, v1, v2;
	v0 =	vsel vm11, v59, v0  }
0x18f: {  	v63 =	vld [tilespmem:$0x1FF30];
	v1 =	vsel vm4, $0x32, v1;
	v2 =	vsel vm3, $0x33, v2;
	vm10 =	vgt.f32 v37, v0  }
0x190: {  	v0 =	vsel vm10, v37, v0;
	v3 =	vadd.f32 v3, v4;
	v4 =	vpop (erf);
	(erf) = vpow2.f32 v5;
	v5 =	vld [tilespmem:$0x1FF70]  }
0x191: {  	v2 =	vsel vm6, v1, v2;
	v0 =	vsel vm9, v61, v0  }
0x192: {  	v1 =	vsel vm6, $0x33, v1;
	[tilespmem:$0x1FF60] =	vst v10;
	vm8 =	vgt.f32 v20, v0;
	vm6 =	vnez.u8 v6;
	v6 =	vld [tilespmem:$0x1FF50]  }
0x193: {  	vm4 =	vnez.u8 v62;
	v0 =	vsel vm8, v20, v0;
	v3 =	vadd.f32 v3, v4;
	v4 =	vld [tilespmem:$0x1FF60]  }
0x194: {  	v0 =	vsel vm4, v63, v0  }
0x195: {  	vm7 =	vgt.f32 v17, v0;
	vm3 =	vnez.u8 v5;
	v5 =	vld [tilespmem:$0x1FF80]  }
0x196: {  	v2 =	vsel vm5, $0x34, v2;
	v0 =	vsel vm7, v17, v0  }
0x197: {  	v2 =	vsel vm0, v1, v2;
	v0 =	vsel vm6, v6, v0  }
0x198: {  	v1 =	vsel vm0, $0x34, v1;
	vm0 =	vnez.u8 v4;
	v4 =	vpop (erf);
	vm5 =	vgt.f32 v16, v0  }
0x199: {  	v3 =	vadd.f32 v3, v4;
	v0 =	vsel vm5, v16, v0  }
0x19a: {  	v4 =	vpop (erf);
	v0 =	vsel vm3, v5, v0;
	v5 =	vld [tilespmem:$0x1FF90]  }
0x19b: {  	v3 =	vadd.f32 v3, v4;
	v4 =	vld [tilespmem:$0x1FFA0];
	_ =	sdelay $0x3  }
0x19c: {  	v2 =	vsel vm0, $0x35, v2;
	vm0 =	vnez.u8 v5  }
0x19d: {  	v2 =	vsel vm0, v1, v2;
	v1 =	vsel vm0, $0x35, v1;
	vm0 =	vnez.u8 v4;
	v4 =	vld [tilespmem:$0x1FFB0];
	_ =	sdelay $0x2  }
0x19e: {  	v5 =	vld [tilespmem:$0x1FFD0];
	v2 =	vsel vm1, $0x36, v2  }
0x19f: {  	v2 =	vsel vm0, v1, v2  }
0x1a0: {  	v2 =	vsel vm15, $0x37, v2;
	vm15 =	vnez.u8 v4;
	v4 =	vld [tilespmem:$0x1FFC0];
	_ =	sdelay $0x1  }
0x1a1: {  	vm1 =	vgt.f32 v9, v0;
	v1 =	vsel vm0, $0x36, v1;
	vm0 =	vmmov vm2  }
0x1a2: {  	v2 =	vsel vm2, v1, v2;
	v1 =	vsel vm0, $0x37, v1;
	vm0 =	vnez.u8 v5;
	v5 =	vld [tilespmem:$0x1FFE0]  }
0x1a3: {  	v0 =	vsel vm1, v9, v0  }
0x1a4: {  	v0 =	vsel vm15, v4, v0;
	v4 =	vpop (erf)  }
0x1a5: {  	v2 =	vsel vm14, $0x38, v2;
	v3 =	vadd.f32 v3, v4;
	vm2 =	vgt.f32 v7, v0  }
0x1a6: {  	v2 =	vsel vm13, v1, v2;
	v1 =	vsel vm13, $0x38, v1;
	v4 =	vpop (erf);
	v0 =	vsel vm2, v7, v0  }
0x1a7: {  	v2 =	vsel vm12, $0x39, v2;
	v0 =	vsel vm0, v5, v0;
	v3 =	vadd.f32 v3, v4  }
0x1a8: {  	v2 =	vsel vm11, v1, v2;
	v4 =	vpop (erf);
	v0 =	vsub.f32 v0, v8  }
0x1a9: {  	v1 =	vsel vm11, $0x39, v1;
	v2 =	vsel vm10, $0x3A, v2;
	v3 =	vadd.f32 v3, v4  }
0x1aa: {  	v2 =	vsel vm9, v1, v2;
	v0 =	vmul.f32 $1.442695020e+00, v0  }
0x1ab: {  	v1 =	vsel vm9, $0x3A, v1;
	v2 =	vsel vm8, $0x3B, v2;
	(erf) = vrcp.f32 v3  }
0x1ac: {  	(erf) = vpow2.f32 v0;
	v0 =	vsel vm4, v1, v2;
	v2 =	vld [tilespmem:$0x1FFF0];
	_ =	sdelay $0x1  }
0x1ad: {  	v1 =	vsel vm4, $0x3B, v1;
	v0 =	vsel vm7, $0x3C, v0  }
0x1ae: {  	v0 =	vsel vm6, v1, v0  }
0x1af: {  	v1 =	vsel vm6, $0x3C, v1;
	v0 =	vsel vm5, $0x3D, v0  }
0x1b0: {  	v0 =	vsel vm3, v1, v0;
	v2 =	vshll.u32 v2, $0x1  }
0x1b1: {  	v1 =	vsel vm3, $0x3D, v1;
	v0 =	vsel vm1, $0x3E, v0;
	v3 =	vor.u32 $0x1, v2  }
0x1b2: {  	v0 =	vsel vm15, v1, v0;
	v1 =	vsel vm15, $0x3E, v1  }
0x1b3: {  	p0 =	sne.s32 s11, $0x3F0  }
.Ltmp0:
0x1b4: {  	v0 =	vsel vm2, $0x3F, v0;
	v5 =	vsel vm0, $0x3F, v1;
	v4 =	vpop (erf);
	(pc) =	sbr.rel @p0 .LBB2_2-.Ltmp0, $4  }
0x1b5: {  	v0 =	vsel vm0, v1, v0;
	v1 =	vpop (erf);
	[tilespmem:v2+s8+$0x0] =	vst.idx.msk $0xffff, v5  }
0x1b6: {  	[tilespmem:v3+s8+$0x0] =	vst.idx.msk $0xffff, v0;
	v0 =	vmul.f32 v4, v1  }
0x1b7: {  	[tilespmem:v2+s9+$0x0] =	vst.idx.msk $0xffff, v4  }
0x1b8: {  	s11 =	sadd.s32 $0x10, s11;
	v4 =	vimm.s32 $0x0;
	[tilespmem:v3+s9+$0x0] =	vst.idx.msk $0xffff, v0;
	v0 =	vlaneseq.u32  }
0x1b9: {  	[hbm4b:s4+s2] =	stream.linear.scatter [tilespmem:s8], [sflag:$0x1], $0x800, $0x38;
	[tilespmem:$0x11000] =	vst v63  }
0x1ba: {  	s10 =	sadd.s32 $0x1, s10;
	_ =	swait.ge [sflag:s7], $0x800  }
0x1bb: {  	p0 =	sne.s32 s10, s6;
	[sflag:s7] =	ssyncset.done $0x0  }
.Ltmp1:
0x1bc: {  	[sflag:s7] =	ssyncadd.s32 $0xFFFFF800;
	(pc) =	sbr.rel @p0 .LBB2_1-.Ltmp1, $4  }
0x1bd: {  	[hbm4b:s5+s2] =	stream.linear.scatter [tilespmem:s9], [sflag:$0x1], $0x800, $0x38;
	[tilespmem:$0x11000] =	vst v63  }
0x1be: {  	_ =	swait.ge [sflag:s7], $0x800  }
0x1bf: {  	[sflag:s7] =	ssyncset.done $0x0  }
0x1c0: {  	[sflag:s7] =	ssyncadd.s32 $0xFFFFF800  }
0x1c1: {  	_ =	sfence.sel $0x180000  }
0x1c2: {  	[bflag:$0x0] =	sbarrier.arrive $0xFFFF  }
0x1c3: {  	p0 =	sne.s32 s1, $0x0;
	_ =	strace $0x90000047  }
0x1c4: {  	s0 =	sadd.s32 @!p0 $0x100000, s0;
	[bflag:$0x2] =	sbarrier.arrive $0xFFFF  }
0x1c5: {  	[sflag:s0] =	ssyncadd.tile.s32 @!p0 $0x1;
	_ =	shalt  }
.Lfunc_end2:
_tile_overlayer_lowered:
.L_overlay_start_2:
0x1c6: {  	(tag) =	ssettag $0x2  }
0x1c7: {  	s0 =	rddreg [dreg:$0x0];
	s2 =	stileid.u32  }
0x1c8: {  	s1 =	rddreg [dreg:$0x1];
	p0 =	sne.s32 s2, $0x0  }
0x1c9: {  	s3 =	rddreg [dreg:$0x2];
	[bflag:$0x3] =	sbarrier.arrive $0xFFFF;
	s2 =	simm.s32 @!p0 $0x1C01  }
0x1ca: {  	[timem:s3], [sflag:s2] =	dma.local @!p0 [hbm:s0], s1  }
0x1cb: {  	s0 =	simm.s32 @!p0 $0x1  }
0x1cc: {  	_ =	swait.ge @!p0 [sflag:s0], s1  }
0x1cd: {  	s1 =	ssub.s32 @!p0 $0x0, s1;
	[sflag:s0] =	ssyncset.done @!p0 $0x0  }
0x1ce: {  	[sflag:s0] =	ssyncadd.s32 @!p0 s1  }
0x1cf: {  	[bflag:$0x3] =	sbarrier.arrive $0xFFFF  }
0x1d0: {  	_ =	shalt  }

</sc_bundles>
